<compile_context>
chip_gen: v7x
topology: tpu7x:2x2x1
jax: 0.10.2.dev20260603
libtpu: 0.0.44.dev20260713+nightly
codegen_flags: <defaults>
</compile_context>

<pallas_src>
import functools

import jax
import jax.numpy as jnp
from jax import lax
from jax.experimental import pallas as pl
from jax.experimental.pallas import tpu as pltpu
from jax.experimental.pallas import tpu_sc as plsc

B = 16384
D = 64
NUM_TABLES = 4
_NC, _NS = 2, 16
_NW = _NC * _NS
_BPW = B // _NW
_CH = 128
_NCHUNK = _BPW // _CH


def _gather_body(type_hbm, loc_hbm, src_hbm, tgt_hbm,
                 tab_type, tab_loc, tab_src, tab_tgt,
                 out_hbm, idx_v, rows_v, sem):
    wid = lax.axis_index("s") * _NC + lax.axis_index("c")
    base = wid * _BPW
    idx_refs = (type_hbm, loc_hbm, src_hbm, tgt_hbm)
    tabs = (tab_type, tab_loc, tab_src, tab_tgt)
    for t in range(NUM_TABLES):
        for j in range(_NCHUNK):
            pltpu.sync_copy(idx_refs[t].at[pl.ds(base + j * _CH, _CH)],
                            idx_v.at[j])
        copies = [
            pltpu.async_copy(tabs[t].at[idx_v.at[j]],
                             rows_v.at[pl.ds(j * _CH, _CH)], sem)
            for j in range(_NCHUNK)
        ]
        for c in copies:
            c.wait()
        pltpu.sync_copy(rows_v, out_hbm.at[t, pl.ds(base, _BPW)])


@functools.cache
def _gather():
    return functools.partial(
        pl.kernel,
        mesh=plsc.VectorSubcoreMesh(core_axis_name="c", subcore_axis_name="s"),
        compiler_params=pltpu.CompilerParams(use_tc_tiling_on_sc=False),
        out_type=jax.ShapeDtypeStruct((NUM_TABLES, B, D), jnp.float32),
        scratch_types=[
            pltpu.VMEM((_NCHUNK, _CH), jnp.int32),
            pltpu.VMEM((_BPW, D), jnp.float32),
            pltpu.SemaphoreType.DMA,
        ],
    )(_gather_body)


def _mlp_body(x_ref, ln1g_ref, ln1b_ref, w1_ref, b1_ref, w2_ref, b2_ref,
              ln2g_ref, ln2b_ref, out_ref):
    x = x_ref[...]
    xc = jnp.concatenate([x[0], x[1], x[2], x[3]], axis=-1)
    mu = jnp.mean(xc, axis=-1, keepdims=True)
    xm = xc - mu
    var = jnp.mean(xm * xm, axis=-1, keepdims=True)
    h = xm * lax.rsqrt(var + 1e-5) * ln1g_ref[...] + ln1b_ref[...]
    h = jnp.dot(h, w1_ref[...], preferred_element_type=jnp.float32)
    h = jnp.maximum(h + b1_ref[...], 0.0)
    h = jnp.dot(h, w2_ref[...], preferred_element_type=jnp.float32)
    h = h + b2_ref[...]
    mu2 = jnp.mean(h, axis=-1, keepdims=True)
    hm = h - mu2
    var2 = jnp.mean(hm * hm, axis=-1, keepdims=True)
    out_ref[...] = hm * lax.rsqrt(var2 + 1e-5) * ln2g_ref[...] + ln2b_ref[...]


_R = 2048


def _mlp(x, ln1_g, ln1_b, W1, b1, W2, b2, ln2_g, ln2_b):
    grid = (B // _R,)
    full = lambda shape: pl.BlockSpec(shape, lambda i: (0, 0))
    return pl.pallas_call(
        _mlp_body,
        grid=grid,
        in_specs=[
            pl.BlockSpec((NUM_TABLES, _R, D), lambda i: (0, i, 0)),
            full((1, 4 * D)), full((1, 4 * D)),
            full((4 * D, 2 * D)), full((1, 2 * D)),
            full((2 * D, D)), full((1, D)),
            full((1, D)), full((1, D)),
        ],
        out_specs=pl.BlockSpec((_R, D), lambda i: (i, 0)),
        out_shape=jax.ShapeDtypeStruct((B, D), jnp.float32),
    )(x, ln1_g.reshape(1, -1), ln1_b.reshape(1, -1), W1, b1.reshape(1, -1),
      W2, b2.reshape(1, -1), ln2_g.reshape(1, -1), ln2_b.reshape(1, -1))


def kernel(type_idx, loc_idx, src_idx, tgt_idx, emb_type, emb_loc,
           source_emb, target_emb, ln1_g, ln1_b, W1, b1, W2, b2,
           ln2_g, ln2_b):
    gathered = _gather()(type_idx.astype(jnp.int32), loc_idx.astype(jnp.int32),
                         src_idx.astype(jnp.int32), tgt_idx.astype(jnp.int32),
                         emb_type, emb_loc, source_emb, target_emb)
    return _mlp(gathered, ln1_g, ln1_b, W1, b1, W2, b2, ln2_g, ln2_b)

# --- scband reference (transcript-rebuilt; emitter-appended) ---
"""Pipeline reference for scband-trans-embedding-33294586479126 (READ-ONLY COPY).

The authoritative reference and input builder live on the scoring server;
editing this copy changes nothing except your own understanding.
"""

import jax, jax.numpy as jnp
import numpy as np

B = 16384
D = 64   # node_emb_dim
F = 64   # feats_dim
V_TYPE = 1000
V_LOC = 100000
V_NODE = 1000000


def _layernorm(x, g, b, eps=1e-5):
    mu = jnp.mean(x, axis=-1, keepdims=True)
    var = jnp.mean((x - mu) ** 2, axis=-1, keepdims=True)
    return (x - mu) / jnp.sqrt(var + eps) * g + b


def setup_inputs(seed: int = 0) -> dict:
    key = jax.random.key(seed)
    ks = jax.random.split(key, 16)
    inp = {}
    # df columns (integer index tensors)
    inp["type_idx"] = jax.random.randint(ks[0], (B,), 0, V_TYPE)
    inp["loc_idx"] = jax.random.randint(ks[1], (B,), 0, V_LOC)
    inp["src_idx"] = jax.random.randint(ks[2], (B,), 0, V_NODE)
    inp["tgt_idx"] = jax.random.randint(ks[3], (B,), 0, V_NODE)
    # learned parameters
    inp["emb_type"] = jax.random.normal(ks[4], (V_TYPE, D), dtype=jnp.float32)
    inp["emb_loc"] = jax.random.normal(ks[5], (V_LOC, D), dtype=jnp.float32)
    inp["source_emb"] = jax.random.normal(ks[6], (V_NODE, D), dtype=jnp.float32) * 0.1
    inp["target_emb"] = jax.random.normal(ks[7], (V_NODE, D), dtype=jnp.float32) * 0.1
    input_dim = 4 * D  # 2 cat features (Type, Location) + source + target
    inp["ln1_g"] = jnp.ones((input_dim,), dtype=jnp.float32)
    inp["ln1_b"] = jnp.zeros((input_dim,), dtype=jnp.float32)
    inp["W1"] = jax.random.normal(ks[8], (input_dim, 2 * F), dtype=jnp.float32) * (1.0 / np.sqrt(input_dim))
    inp["b1"] = jnp.zeros((2 * F,), dtype=jnp.float32)
    inp["W2"] = jax.random.normal(ks[9], (2 * F, F), dtype=jnp.float32) * (1.0 / np.sqrt(2 * F))
    inp["b2"] = jnp.zeros((F,), dtype=jnp.float32)
    inp["ln2_g"] = jnp.ones((F,), dtype=jnp.float32)
    inp["ln2_b"] = jnp.zeros((F,), dtype=jnp.float32)
    return inp


def reference(type_idx, loc_idx, src_idx, tgt_idx, emb_type, emb_loc, source_emb,
              target_emb, ln1_g, ln1_b, W1, b1, W2, b2, ln2_g, ln2_b):
    # cat feature embedding lookups (Type, Location); 'Target' is excluded from emb_dict
    cat = jnp.concatenate([jnp.take(emb_type, type_idx, axis=0),
                           jnp.take(emb_loc, loc_idx, axis=0)], axis=1)
    # pretrained source/target node embedding lookups
    s = jnp.take(source_emb, src_idx, axis=0)
    t = jnp.take(target_emb, tgt_idx, axis=0)
    combined = jnp.concatenate([cat, s, t], axis=1)
    h = _layernorm(combined, ln1_g, ln1_b)
    # MLP (dropout is identity in eval mode)
    h = jnp.maximum(h @ W1 + b1, 0.0)
    h = h @ W2 + b2
    out = _layernorm(h, ln2_g, ln2_b)
    return out

if __name__ == "__main__":
    import jax
    _d = setup_inputs()
    print(jax.jit(kernel)(*tuple(_d.values())))

</pallas_src>

<mosaic_0001>
#map = affine_map<(d0, d1) -> (0)>
#map1 = affine_map<(d0, d1) -> (0, 0)>
#map2 = affine_map<(d0, d1) -> (0, 0, 0)>
module attributes {stable_mosaic.version = 14 : i64} {
  func.func @_gather_body(%arg0: i32, %arg1: i32, %arg2: memref<16384xi32, #tpu.memory_space<hbm>>, %arg3: memref<16384xi32, #tpu.memory_space<hbm>>, %arg4: memref<16384xi32, #tpu.memory_space<hbm>>, %arg5: memref<16384xi32, #tpu.memory_space<hbm>>, %arg6: memref<1000x64xf32, #tpu.memory_space<hbm>>, %arg7: memref<100000x64xf32, #tpu.memory_space<hbm>>, %arg8: memref<1000000x64xf32, #tpu.memory_space<hbm>>, %arg9: memref<1000000x64xf32, #tpu.memory_space<hbm>>, %arg10: memref<4x16384x64xf32, #tpu.memory_space<hbm>>, %arg11: memref<4x128xi32, #tpu.memory_space<vmem>>, %arg12: memref<512x64xf32, #tpu.memory_space<vmem>>, %arg13: memref<!tpu.dma_semaphore, #tpu.memory_space<semaphore_mem>>) attributes {dimension_semantics = [#tpu.dimension_semantics<core_parallel>, #tpu.dimension_semantics<subcore_parallel>], iteration_bounds = array<i64: 2, 16>, scalar_prefetch = 0 : i64, scratch_operands = 3 : i64, tpu.core_type = #tpu.core_type<sc_vector_subcore>, window_params = [{transform_indices = #map}, {transform_indices = #map}, {transform_indices = #map}, {transform_indices = #map}, {transform_indices = #map1}, {transform_indices = #map1}, {transform_indices = #map1}, {transform_indices = #map1}, {transform_indices = #map2}]} {
    %mul3A = arith.constant 2 : i32
    %mul3A_0 = arith.muli %arg1, %mul3A : i32
    %add3A = arith.addi %mul3A_0, %arg0 : i32
    %mul3A_1 = arith.constant 512 : i32
    %mul3A_2 = arith.muli %add3A, %mul3A_1 : i32
    %add3A_3 = arith.constant 0 : i32
    %add3A_4 = arith.addi %mul3A_2, %add3A_3 : i32
    %run_scoped3A = arith.constant 0 : i32
    "tpu.region"() ({
      %run_scoped3A_372 = tpu.sem_alloc : memref<!tpu.dma_semaphore, #tpu.memory_space<semaphore_mem>>
      %dma_start3A_373 = arith.constant 0 : i32
      %dma_start3A_374 = tpu.memref_slice %arg11[%run_scoped3A, %dma_start3A_373] : memref<4x128xi32, #tpu.memory_space<vmem>> -> memref<1x128xi32, #tpu.memory_space<vmem>>
      %dma_start3A_375 = tpu.memref_squeeze %dma_start3A_374 : memref<1x128xi32, #tpu.memory_space<vmem>> -> memref<128xi32, #tpu.memory_space<vmem>>
      %dma_start3A_376 = tpu.memref_slice %arg2[%add3A_4] : memref<16384xi32, #tpu.memory_space<hbm>> -> memref<128xi32, #tpu.memory_space<hbm>>
      %dma_start3A_377 = arith.constant 0 : i32
      %dma_start3A_378 = tpu.memref_slice %arg11[%run_scoped3A, %dma_start3A_377] : memref<4x128xi32, #tpu.memory_space<vmem>> -> memref<1x128xi32, #tpu.memory_space<vmem>>
      %dma_start3A_379 = tpu.memref_squeeze %dma_start3A_378 : memref<1x128xi32, #tpu.memory_space<vmem>> -> memref<128xi32, #tpu.memory_space<vmem>>
      %dma_start3A_380 = tpu.memref_slice %arg2[%add3A_4] : memref<16384xi32, #tpu.memory_space<hbm>> -> memref<128xi32, #tpu.memory_space<hbm>>
      tpu.enqueue_dma source(%dma_start3A_380 : memref<128xi32, #tpu.memory_space<hbm>>) target(%dma_start3A_379 : memref<128xi32, #tpu.memory_space<vmem>>) target_semaphore(%run_scoped3A_372 : memref<!tpu.dma_semaphore, #tpu.memory_space<semaphore_mem>>)
      %dma_wait3A_381 = arith.constant 0 : i32
      %dma_wait3A_382 = tpu.memref_slice %arg11[%run_scoped3A, %dma_wait3A_381] : memref<4x128xi32, #tpu.memory_space<vmem>> -> memref<1x128xi32, #tpu.memory_space<vmem>>
      %dma_wait3A_383 = tpu.memref_squeeze %dma_wait3A_382 : memref<1x128xi32, #tpu.memory_space<vmem>> -> memref<128xi32, #tpu.memory_space<vmem>>
      %dma_wait3A_384 = tpu.memref_slice %arg2[%add3A_4] : memref<16384xi32, #tpu.memory_space<hbm>> -> memref<128xi32, #tpu.memory_space<hbm>>
      %dma_wait3A_385 = arith.constant 0 : i32
      %dma_wait3A_386 = tpu.memref_slice %arg11[%run_scoped3A, %dma_wait3A_385] : memref<4x128xi32, #tpu.memory_space<vmem>> -> memref<1x128xi32, #tpu.memory_space<vmem>>
      %dma_wait3A_387 = tpu.memref_squeeze %dma_wait3A_386 : memref<1x128xi32, #tpu.memory_space<vmem>> -> memref<128xi32, #tpu.memory_space<vmem>>
      %dma_wait3A_388 = tpu.memref_slice %arg2[%add3A_4] : memref<16384xi32, #tpu.memory_space<hbm>> -> memref<128xi32, #tpu.memory_space<hbm>>
      tpu.wait_dma2 semaphore(%run_scoped3A_372 : memref<!tpu.dma_semaphore, #tpu.memory_space<semaphore_mem>>) src(%dma_wait3A_388 : memref<128xi32, #tpu.memory_space<hbm>>) dst(%dma_wait3A_387 : memref<128xi32, #tpu.memory_space<vmem>>)
      tpu.yield
    }) : () -> ()
    %add3A_5 = arith.constant 128 : i32
    %add3A_6 = arith.addi %mul3A_2, %add3A_5 : i32
    %run_scoped3A_7 = arith.constant 1 : i32
    "tpu.region"() ({
      %run_scoped3A_372 = tpu.sem_alloc : memref<!tpu.dma_semaphore, #tpu.memory_space<semaphore_mem>>
      %dma_start3A_373 = arith.constant 0 : i32
      %dma_start3A_374 = tpu.memref_slice %arg11[%run_scoped3A_7, %dma_start3A_373] : memref<4x128xi32, #tpu.memory_space<vmem>> -> memref<1x128xi32, #tpu.memory_space<vmem>>
      %dma_start3A_375 = tpu.memref_squeeze %dma_start3A_374 : memref<1x128xi32, #tpu.memory_space<vmem>> -> memref<128xi32, #tpu.memory_space<vmem>>
      %dma_start3A_376 = tpu.memref_slice %arg2[%add3A_6] : memref<16384xi32, #tpu.memory_space<hbm>> -> memref<128xi32, #tpu.memory_space<hbm>>
      %dma_start3A_377 = arith.constant 0 : i32
      %dma_start3A_378 = tpu.memref_slice %arg11[%run_scoped3A_7, %dma_start3A_377] : memref<4x128xi32, #tpu.memory_space<vmem>> -> memref<1x128xi32, #tpu.memory_space<vmem>>
      %dma_start3A_379 = tpu.memref_squeeze %dma_start3A_378 : memref<1x128xi32, #tpu.memory_space<vmem>> -> memref<128xi32, #tpu.memory_space<vmem>>
      %dma_start3A_380 = tpu.memref_slice %arg2[%add3A_6] : memref<16384xi32, #tpu.memory_space<hbm>> -> memref<128xi32, #tpu.memory_space<hbm>>
      tpu.enqueue_dma source(%dma_start3A_380 : memref<128xi32, #tpu.memory_space<hbm>>) target(%dma_start3A_379 : memref<128xi32, #tpu.memory_space<vmem>>) target_semaphore(%run_scoped3A_372 : memref<!tpu.dma_semaphore, #tpu.memory_space<semaphore_mem>>)
      %dma_wait3A_381 = arith.constant 0 : i32
      %dma_wait3A_382 = tpu.memref_slice %arg11[%run_scoped3A_7, %dma_wait3A_381] : memref<4x128xi32, #tpu.memory_space<vmem>> -> memref<1x128xi32, #tpu.memory_space<vmem>>
      %dma_wait3A_383 = tpu.memref_squeeze %dma_wait3A_382 : memref<1x128xi32, #tpu.memory_space<vmem>> -> memref<128xi32, #tpu.memory_space<vmem>>
      %dma_wait3A_384 = tpu.memref_slice %arg2[%add3A_6] : memref<16384xi32, #tpu.memory_space<hbm>> -> memref<128xi32, #tpu.memory_space<hbm>>
      %dma_wait3A_385 = arith.constant 0 : i32
      %dma_wait3A_386 = tpu.memref_slice %arg11[%run_scoped3A_7, %dma_wait3A_385] : memref<4x128xi32, #tpu.memory_space<vmem>> -> memref<1x128xi32, #tpu.memory_space<vmem>>
      %dma_wait3A_387 = tpu.memref_squeeze %dma_wait3A_386 : memref<1x128xi32, #tpu.memory_space<vmem>> -> memref<128xi32, #tpu.memory_space<vmem>>
      %dma_wait3A_388 = tpu.memref_slice %arg2[%add3A_6] : memref<16384xi32, #tpu.memory_space<hbm>> -> memref<128xi32, #tpu.memory_space<hbm>>
      tpu.wait_dma2 semaphore(%run_scoped3A_372 : memref<!tpu.dma_semaphore, #tpu.memory_space<semaphore_mem>>) src(%dma_wait3A_388 : memref<128xi32, #tpu.memory_space<hbm>>) dst(%dma_wait3A_387 : memref<128xi32, #tpu.memory_space<vmem>>)
      tpu.yield
    }) : () -> ()
    %add3A_8 = arith.constant 256 : i32
    %add3A_9 = arith.addi %mul3A_2, %add3A_8 : i32
    %run_scoped3A_10 = arith.constant 2 : i32
    "tpu.region"() ({
      %run_scoped3A_372 = tpu.sem_alloc : memref<!tpu.dma_semaphore, #tpu.memory_space<semaphore_mem>>
      %dma_start3A_373 = arith.constant 0 : i32
      %dma_start3A_374 = tpu.memref_slice %arg11[%run_scoped3A_10, %dma_start3A_373] : memref<4x128xi32, #tpu.memory_space<vmem>> -> memref<1x128xi32, #tpu.memory_space<vmem>>
      %dma_start3A_375 = tpu.memref_squeeze %dma_start3A_374 : memref<1x128xi32, #tpu.memory_space<vmem>> -> memref<128xi32, #tpu.memory_space<vmem>>
      %dma_start3A_376 = tpu.memref_slice %arg2[%add3A_9] : memref<16384xi32, #tpu.memory_space<hbm>> -> memref<128xi32, #tpu.memory_space<hbm>>
      %dma_start3A_377 = arith.constant 0 : i32
      %dma_start3A_378 = tpu.memref_slice %arg11[%run_scoped3A_10, %dma_start3A_377] : memref<4x128xi32, #tpu.memory_space<vmem>> -> memref<1x128xi32, #tpu.memory_space<vmem>>
      %dma_start3A_379 = tpu.memref_squeeze %dma_start3A_378 : memref<1x128xi32, #tpu.memory_space<vmem>> -> memref<128xi32, #tpu.memory_space<vmem>>
      %dma_start3A_380 = tpu.memref_slice %arg2[%add3A_9] : memref<16384xi32, #tpu.memory_space<hbm>> -> memref<128xi32, #tpu.memory_space<hbm>>
      tpu.enqueue_dma source(%dma_start3A_380 : memref<128xi32, #tpu.memory_space<hbm>>) target(%dma_start3A_379 : memref<128xi32, #tpu.memory_space<vmem>>) target_semaphore(%run_scoped3A_372 : memref<!tpu.dma_semaphore, #tpu.memory_space<semaphore_mem>>)
      %dma_wait3A_381 = arith.constant 0 : i32
      %dma_wait3A_382 = tpu.memref_slice %arg11[%run_scoped3A_10, %dma_wait3A_381] : memref<4x128xi32, #tpu.memory_space<vmem>> -> memref<1x128xi32, #tpu.memory_space<vmem>>
      %dma_wait3A_383 = tpu.memref_squeeze %dma_wait3A_382 : memref<1x128xi32, #tpu.memory_space<vmem>> -> memref<128xi32, #tpu.memory_space<vmem>>
      %dma_wait3A_384 = tpu.memref_slice %arg2[%add3A_9] : memref<16384xi32, #tpu.memory_space<hbm>> -> memref<128xi32, #tpu.memory_space<hbm>>
      %dma_wait3A_385 = arith.constant 0 : i32
      %dma_wait3A_386 = tpu.memref_slice %arg11[%run_scoped3A_10, %dma_wait3A_385] : memref<4x128xi32, #tpu.memory_space<vmem>> -> memref<1x128xi32, #tpu.memory_space<vmem>>
      %dma_wait3A_387 = tpu.memref_squeeze %dma_wait3A_386 : memref<1x128xi32, #tpu.memory_space<vmem>> -> memref<128xi32, #tpu.memory_space<vmem>>
      %dma_wait3A_388 = tpu.memref_slice %arg2[%add3A_9] : memref<16384xi32, #tpu.memory_space<hbm>> -> memref<128xi32, #tpu.memory_space<hbm>>
      tpu.wait_dma2 semaphore(%run_scoped3A_372 : memref<!tpu.dma_semaphore, #tpu.memory_space<semaphore_mem>>) src(%dma_wait3A_388 : memref<128xi32, #tpu.memory_space<hbm>>) dst(%dma_wait3A_387 : memref<128xi32, #tpu.memory_space<vmem>>)
      tpu.yield
    }) : () -> ()
    %add3A_11 = arith.constant 384 : i32
    %add3A_12 = arith.addi %mul3A_2, %add3A_11 : i32
    %run_scoped3A_13 = arith.constant 3 : i32
    "tpu.region"() ({
      %run_scoped3A_372 = tpu.sem_alloc : memref<!tpu.dma_semaphore, #tpu.memory_space<semaphore_mem>>
      %dma_start3A_373 = arith.constant 0 : i32
      %dma_start3A_374 = tpu.memref_slice %arg11[%run_scoped3A_13, %dma_start3A_373] : memref<4x128xi32, #tpu.memory_space<vmem>> -> memref<1x128xi32, #tpu.memory_space<vmem>>
      %dma_start3A_375 = tpu.memref_squeeze %dma_start3A_374 : memref<1x128xi32, #tpu.memory_space<vmem>> -> memref<128xi32, #tpu.memory_space<vmem>>
      %dma_start3A_376 = tpu.memref_slice %arg2[%add3A_12] : memref<16384xi32, #tpu.memory_space<hbm>> -> memref<128xi32, #tpu.memory_space<hbm>>
      %dma_start3A_377 = arith.constant 0 : i32
      %dma_start3A_378 = tpu.memref_slice %arg11[%run_scoped3A_13, %dma_start3A_377] : memref<4x128xi32, #tpu.memory_space<vmem>> -> memref<1x128xi32, #tpu.memory_space<vmem>>
      %dma_start3A_379 = tpu.memref_squeeze %dma_start3A_378 : memref<1x128xi32, #tpu.memory_space<vmem>> -> memref<128xi32, #tpu.memory_space<vmem>>
      %dma_start3A_380 = tpu.memref_slice %arg2[%add3A_12] : memref<16384xi32, #tpu.memory_space<hbm>> -> memref<128xi32, #tpu.memory_space<hbm>>
      tpu.enqueue_dma source(%dma_start3A_380 : memref<128xi32, #tpu.memory_space<hbm>>) target(%dma_start3A_379 : memref<128xi32, #tpu.memory_space<vmem>>) target_semaphore(%run_scoped3A_372 : memref<!tpu.dma_semaphore, #tpu.memory_space<semaphore_mem>>)
      %dma_wait3A_381 = arith.constant 0 : i32
      %dma_wait3A_382 = tpu.memref_slice %arg11[%run_scoped3A_13, %dma_wait3A_381] : memref<4x128xi32, #tpu.memory_space<vmem>> -> memref<1x128xi32, #tpu.memory_space<vmem>>
      %dma_wait3A_383 = tpu.memref_squeeze %dma_wait3A_382 : memref<1x128xi32, #tpu.memory_space<vmem>> -> memref<128xi32, #tpu.memory_space<vmem>>
      %dma_wait3A_384 = tpu.memref_slice %arg2[%add3A_12] : memref<16384xi32, #tpu.memory_space<hbm>> -> memref<128xi32, #tpu.memory_space<hbm>>
      %dma_wait3A_385 = arith.constant 0 : i32
      %dma_wait3A_386 = tpu.memref_slice %arg11[%run_scoped3A_13, %dma_wait3A_385] : memref<4x128xi32, #tpu.memory_space<vmem>> -> memref<1x128xi32, #tpu.memory_space<vmem>>
      %dma_wait3A_387 = tpu.memref_squeeze %dma_wait3A_386 : memref<1x128xi32, #tpu.memory_space<vmem>> -> memref<128xi32, #tpu.memory_space<vmem>>
      %dma_wait3A_388 = tpu.memref_slice %arg2[%add3A_12] : memref<16384xi32, #tpu.memory_space<hbm>> -> memref<128xi32, #tpu.memory_space<hbm>>
      tpu.wait_dma2 semaphore(%run_scoped3A_372 : memref<!tpu.dma_semaphore, #tpu.memory_space<semaphore_mem>>) src(%dma_wait3A_388 : memref<128xi32, #tpu.memory_space<hbm>>) dst(%dma_wait3A_387 : memref<128xi32, #tpu.memory_space<vmem>>)
      tpu.yield
    }) : () -> ()
    %dma_start3A = arith.constant 0 : i32
    %dma_start3A_14 = arith.constant 0 : i32
    %dma_start3A_15 = arith.constant 0 : i32
    %dma_start3A_16 = tpu.memref_slice %arg12[%dma_start3A_14, %dma_start3A_15] : memref<512x64xf32, #tpu.memory_space<vmem>> -> memref<128x64xf32, #tpu.memory_space<vmem>>
    %dma_start3A_17 = arith.constant 0 : i32
    %dma_start3A_18 = tpu.memref_slice %arg11[%dma_start3A, %dma_start3A_17] : memref<4x128xi32, #tpu.memory_space<vmem>> -> memref<1x128xi32, #tpu.memory_space<vmem>>
    %dma_start3A_19 = tpu.memref_squeeze %dma_start3A_18 : memref<1x128xi32, #tpu.memory_space<vmem>> -> memref<128xi32, #tpu.memory_space<vmem>>
    %dma_start3A_20 = arith.constant 0 : i32
    %dma_start3A_21 = arith.constant 0 : i32
    %dma_start3A_22 = tpu.memref_slice %arg6[%dma_start3A_20, %dma_start3A_21] : memref<1000x64xf32, #tpu.memory_space<hbm>> -> memref<1000x64xf32, #tpu.memory_space<hbm>>
    tpu.enqueue_indirect_dma source(%dma_start3A_22 : memref<1000x64xf32, #tpu.memory_space<hbm>>) target(%dma_start3A_16 : memref<128x64xf32, #tpu.memory_space<vmem>>) offsets(%dma_start3A_19 : memref<128xi32, #tpu.memory_space<vmem>>) semaphore(%arg13 : memref<!tpu.dma_semaphore, #tpu.memory_space<semaphore_mem>>)
    %dma_start3A_23 = arith.constant 1 : i32
    %dma_start3A_24 = arith.constant 128 : i32
    %dma_start3A_25 = arith.constant 0 : i32
    %dma_start3A_26 = tpu.memref_slice %arg12[%dma_start3A_24, %dma_start3A_25] : memref<512x64xf32, #tpu.memory_space<vmem>> -> memref<128x64xf32, #tpu.memory_space<vmem>>
    %dma_start3A_27 = arith.constant 0 : i32
    %dma_start3A_28 = tpu.memref_slice %arg11[%dma_start3A_23, %dma_start3A_27] : memref<4x128xi32, #tpu.memory_space<vmem>> -> memref<1x128xi32, #tpu.memory_space<vmem>>
    %dma_start3A_29 = tpu.memref_squeeze %dma_start3A_28 : memref<1x128xi32, #tpu.memory_space<vmem>> -> memref<128xi32, #tpu.memory_space<vmem>>
    %dma_start3A_30 = arith.constant 0 : i32
    %dma_start3A_31 = arith.constant 0 : i32
    %dma_start3A_32 = tpu.memref_slice %arg6[%dma_start3A_30, %dma_start3A_31] : memref<1000x64xf32, #tpu.memory_space<hbm>> -> memref<1000x64xf32, #tpu.memory_space<hbm>>
    tpu.enqueue_indirect_dma source(%dma_start3A_32 : memref<1000x64xf32, #tpu.memory_space<hbm>>) target(%dma_start3A_26 : memref<128x64xf32, #tpu.memory_space<vmem>>) offsets(%dma_start3A_29 : memref<128xi32, #tpu.memory_space<vmem>>) semaphore(%arg13 : memref<!tpu.dma_semaphore, #tpu.memory_space<semaphore_mem>>)
    %dma_start3A_33 = arith.constant 2 : i32
    %dma_start3A_34 = arith.constant 256 : i32
    %dma_start3A_35 = arith.constant 0 : i32
    %dma_start3A_36 = tpu.memref_slice %arg12[%dma_start3A_34, %dma_start3A_35] : memref<512x64xf32, #tpu.memory_space<vmem>> -> memref<128x64xf32, #tpu.memory_space<vmem>>
    %dma_start3A_37 = arith.constant 0 : i32
    %dma_start3A_38 = tpu.memref_slice %arg11[%dma_start3A_33, %dma_start3A_37] : memref<4x128xi32, #tpu.memory_space<vmem>> -> memref<1x128xi32, #tpu.memory_space<vmem>>
    %dma_start3A_39 = tpu.memref_squeeze %dma_start3A_38 : memref<1x128xi32, #tpu.memory_space<vmem>> -> memref<128xi32, #tpu.memory_space<vmem>>
    %dma_start3A_40 = arith.constant 0 : i32
    %dma_start3A_41 = arith.constant 0 : i32
    %dma_start3A_42 = tpu.memref_slice %arg6[%dma_start3A_40, %dma_start3A_41] : memref<1000x64xf32, #tpu.memory_space<hbm>> -> memref<1000x64xf32, #tpu.memory_space<hbm>>
    tpu.enqueue_indirect_dma source(%dma_start3A_42 : memref<1000x64xf32, #tpu.memory_space<hbm>>) target(%dma_start3A_36 : memref<128x64xf32, #tpu.memory_space<vmem>>) offsets(%dma_start3A_39 : memref<128xi32, #tpu.memory_space<vmem>>) semaphore(%arg13 : memref<!tpu.dma_semaphore, #tpu.memory_space<semaphore_mem>>)
    %dma_start3A_43 = arith.constant 3 : i32
    %dma_start3A_44 = arith.constant 384 : i32
    %dma_start3A_45 = arith.constant 0 : i32
    %dma_start3A_46 = tpu.memref_slice %arg12[%dma_start3A_44, %dma_start3A_45] : memref<512x64xf32, #tpu.memory_space<vmem>> -> memref<128x64xf32, #tpu.memory_space<vmem>>
    %dma_start3A_47 = arith.constant 0 : i32
    %dma_start3A_48 = tpu.memref_slice %arg11[%dma_start3A_43, %dma_start3A_47] : memref<4x128xi32, #tpu.memory_space<vmem>> -> memref<1x128xi32, #tpu.memory_space<vmem>>
    %dma_start3A_49 = tpu.memref_squeeze %dma_start3A_48 : memref<1x128xi32, #tpu.memory_space<vmem>> -> memref<128xi32, #tpu.memory_space<vmem>>
    %dma_start3A_50 = arith.constant 0 : i32
    %dma_start3A_51 = arith.constant 0 : i32
    %dma_start3A_52 = tpu.memref_slice %arg6[%dma_start3A_50, %dma_start3A_51] : memref<1000x64xf32, #tpu.memory_space<hbm>> -> memref<1000x64xf32, #tpu.memory_space<hbm>>
    tpu.enqueue_indirect_dma source(%dma_start3A_52 : memref<1000x64xf32, #tpu.memory_space<hbm>>) target(%dma_start3A_46 : memref<128x64xf32, #tpu.memory_space<vmem>>) offsets(%dma_start3A_49 : memref<128xi32, #tpu.memory_space<vmem>>) semaphore(%arg13 : memref<!tpu.dma_semaphore, #tpu.memory_space<semaphore_mem>>)
    %dma_wait3A = arith.constant 0 : i32
    %dma_wait3A_53 = arith.constant 0 : i32
    %dma_wait3A_54 = arith.constant 0 : i32
    %dma_wait3A_55 = tpu.memref_slice %arg12[%dma_wait3A_53, %dma_wait3A_54] : memref<512x64xf32, #tpu.memory_space<vmem>> -> memref<128x64xf32, #tpu.memory_space<vmem>>
    %dma_wait3A_56 = arith.constant 0 : i32
    %dma_wait3A_57 = tpu.memref_slice %arg11[%dma_wait3A, %dma_wait3A_56] : memref<4x128xi32, #tpu.memory_space<vmem>> -> memref<1x128xi32, #tpu.memory_space<vmem>>
    %dma_wait3A_58 = tpu.memref_squeeze %dma_wait3A_57 : memref<1x128xi32, #tpu.memory_space<vmem>> -> memref<128xi32, #tpu.memory_space<vmem>>
    %dma_wait3A_59 = arith.constant 0 : i32
    %dma_wait3A_60 = arith.constant 0 : i32
    %dma_wait3A_61 = tpu.memref_slice %arg6[%dma_wait3A_59, %dma_wait3A_60] : memref<1000x64xf32, #tpu.memory_space<hbm>> -> memref<1000x64xf32, #tpu.memory_space<hbm>>
    tpu.wait_indirect_dma semaphore(%arg13 : memref<!tpu.dma_semaphore, #tpu.memory_space<semaphore_mem>>) src(%dma_wait3A_61 : memref<1000x64xf32, #tpu.memory_space<hbm>>) dst(%dma_wait3A_55 : memref<128x64xf32, #tpu.memory_space<vmem>>)
    %dma_wait3A_62 = arith.constant 1 : i32
    %dma_wait3A_63 = arith.constant 128 : i32
    %dma_wait3A_64 = arith.constant 0 : i32
    %dma_wait3A_65 = tpu.memref_slice %arg12[%dma_wait3A_63, %dma_wait3A_64] : memref<512x64xf32, #tpu.memory_space<vmem>> -> memref<128x64xf32, #tpu.memory_space<vmem>>
    %dma_wait3A_66 = arith.constant 0 : i32
    %dma_wait3A_67 = tpu.memref_slice %arg11[%dma_wait3A_62, %dma_wait3A_66] : memref<4x128xi32, #tpu.memory_space<vmem>> -> memref<1x128xi32, #tpu.memory_space<vmem>>
    %dma_wait3A_68 = tpu.memref_squeeze %dma_wait3A_67 : memref<1x128xi32, #tpu.memory_space<vmem>> -> memref<128xi32, #tpu.memory_space<vmem>>
    %dma_wait3A_69 = arith.constant 0 : i32
    %dma_wait3A_70 = arith.constant 0 : i32
    %dma_wait3A_71 = tpu.memref_slice %arg6[%dma_wait3A_69, %dma_wait3A_70] : memref<1000x64xf32, #tpu.memory_space<hbm>> -> memref<1000x64xf32, #tpu.memory_space<hbm>>
    tpu.wait_indirect_dma semaphore(%arg13 : memref<!tpu.dma_semaphore, #tpu.memory_space<semaphore_mem>>) src(%dma_wait3A_71 : memref<1000x64xf32, #tpu.memory_space<hbm>>) dst(%dma_wait3A_65 : memref<128x64xf32, #tpu.memory_space<vmem>>)
    %dma_wait3A_72 = arith.constant 2 : i32
    %dma_wait3A_73 = arith.constant 256 : i32
    %dma_wait3A_74 = arith.constant 0 : i32
    %dma_wait3A_75 = tpu.memref_slice %arg12[%dma_wait3A_73, %dma_wait3A_74] : memref<512x64xf32, #tpu.memory_space<vmem>> -> memref<128x64xf32, #tpu.memory_space<vmem>>
    %dma_wait3A_76 = arith.constant 0 : i32
    %dma_wait3A_77 = tpu.memref_slice %arg11[%dma_wait3A_72, %dma_wait3A_76] : memref<4x128xi32, #tpu.memory_space<vmem>> -> memref<1x128xi32, #tpu.memory_space<vmem>>
    %dma_wait3A_78 = tpu.memref_squeeze %dma_wait3A_77 : memref<1x128xi32, #tpu.memory_space<vmem>> -> memref<128xi32, #tpu.memory_space<vmem>>
    %dma_wait3A_79 = arith.constant 0 : i32
    %dma_wait3A_80 = arith.constant 0 : i32
    %dma_wait3A_81 = tpu.memref_slice %arg6[%dma_wait3A_79, %dma_wait3A_80] : memref<1000x64xf32, #tpu.memory_space<hbm>> -> memref<1000x64xf32, #tpu.memory_space<hbm>>
    tpu.wait_indirect_dma semaphore(%arg13 : memref<!tpu.dma_semaphore, #tpu.memory_space<semaphore_mem>>) src(%dma_wait3A_81 : memref<1000x64xf32, #tpu.memory_space<hbm>>) dst(%dma_wait3A_75 : memref<128x64xf32, #tpu.memory_space<vmem>>)
    %dma_wait3A_82 = arith.constant 3 : i32
    %dma_wait3A_83 = arith.constant 384 : i32
    %dma_wait3A_84 = arith.constant 0 : i32
    %dma_wait3A_85 = tpu.memref_slice %arg12[%dma_wait3A_83, %dma_wait3A_84] : memref<512x64xf32, #tpu.memory_space<vmem>> -> memref<128x64xf32, #tpu.memory_space<vmem>>
    %dma_wait3A_86 = arith.constant 0 : i32
    %dma_wait3A_87 = tpu.memref_slice %arg11[%dma_wait3A_82, %dma_wait3A_86] : memref<4x128xi32, #tpu.memory_space<vmem>> -> memref<1x128xi32, #tpu.memory_space<vmem>>
    %dma_wait3A_88 = tpu.memref_squeeze %dma_wait3A_87 : memref<1x128xi32, #tpu.memory_space<vmem>> -> memref<128xi32, #tpu.memory_space<vmem>>
    %dma_wait3A_89 = arith.constant 0 : i32
    %dma_wait3A_90 = arith.constant 0 : i32
    %dma_wait3A_91 = tpu.memref_slice %arg6[%dma_wait3A_89, %dma_wait3A_90] : memref<1000x64xf32, #tpu.memory_space<hbm>> -> memref<1000x64xf32, #tpu.memory_space<hbm>>
    tpu.wait_indirect_dma semaphore(%arg13 : memref<!tpu.dma_semaphore, #tpu.memory_space<semaphore_mem>>) src(%dma_wait3A_91 : memref<1000x64xf32, #tpu.memory_space<hbm>>) dst(%dma_wait3A_85 : memref<128x64xf32, #tpu.memory_space<vmem>>)
    %run_scoped3A_92 = arith.constant 0 : i32
    "tpu.region"() ({
      %run_scoped3A_372 = tpu.sem_alloc : memref<!tpu.dma_semaphore, #tpu.memory_space<semaphore_mem>>
      %dma_start3A_373 = arith.constant 0 : i32
      %dma_start3A_374 = tpu.memref_slice %arg10[%run_scoped3A_92, %mul3A_2, %dma_start3A_373] : memref<4x16384x64xf32, #tpu.memory_space<hbm>> -> memref<1x512x64xf32, #tpu.memory_space<hbm>>
      %dma_start3A_375 = tpu.memref_squeeze %dma_start3A_374 : memref<1x512x64xf32, #tpu.memory_space<hbm>> -> memref<512x64xf32, #tpu.memory_space<hbm>>
      %dma_start3A_376 = arith.constant 0 : i32
      %dma_start3A_377 = tpu.memref_slice %arg10[%run_scoped3A_92, %mul3A_2, %dma_start3A_376] : memref<4x16384x64xf32, #tpu.memory_space<hbm>> -> memref<1x512x64xf32, #tpu.memory_space<hbm>>
      %dma_start3A_378 = tpu.memref_squeeze %dma_start3A_377 : memref<1x512x64xf32, #tpu.memory_space<hbm>> -> memref<512x64xf32, #tpu.memory_space<hbm>>
      tpu.enqueue_dma source(%arg12 : memref<512x64xf32, #tpu.memory_space<vmem>>) target(%dma_start3A_378 : memref<512x64xf32, #tpu.memory_space<hbm>>) target_semaphore(%run_scoped3A_372 : memref<!tpu.dma_semaphore, #tpu.memory_space<semaphore_mem>>)
      %dma_wait3A_379 = arith.constant 0 : i32
      %dma_wait3A_380 = tpu.memref_slice %arg10[%run_scoped3A_92, %mul3A_2, %dma_wait3A_379] : memref<4x16384x64xf32, #tpu.memory_space<hbm>> -> memref<1x512x64xf32, #tpu.memory_space<hbm>>
      %dma_wait3A_381 = tpu.memref_squeeze %dma_wait3A_380 : memref<1x512x64xf32, #tpu.memory_space<hbm>> -> memref<512x64xf32, #tpu.memory_space<hbm>>
      %dma_wait3A_382 = arith.constant 0 : i32
      %dma_wait3A_383 = tpu.memref_slice %arg10[%run_scoped3A_92, %mul3A_2, %dma_wait3A_382] : memref<4x16384x64xf32, #tpu.memory_space<hbm>> -> memref<1x512x64xf32, #tpu.memory_space<hbm>>
      %dma_wait3A_384 = tpu.memref_squeeze %dma_wait3A_383 : memref<1x512x64xf32, #tpu.memory_space<hbm>> -> memref<512x64xf32, #tpu.memory_space<hbm>>
      tpu.wait_dma2 semaphore(%run_scoped3A_372 : memref<!tpu.dma_semaphore, #tpu.memory_space<semaphore_mem>>) src(%arg12 : memref<512x64xf32, #tpu.memory_space<vmem>>) dst(%dma_wait3A_384 : memref<512x64xf32, #tpu.memory_space<hbm>>)
      tpu.yield
    }) : () -> ()
    %add3A_93 = arith.constant 0 : i32
    %add3A_94 = arith.addi %mul3A_2, %add3A_93 : i32
    %run_scoped3A_95 = arith.constant 0 : i32
    "tpu.region"() ({
      %run_scoped3A_372 = tpu.sem_alloc : memref<!tpu.dma_semaphore, #tpu.memory_space<semaphore_mem>>
      %dma_start3A_373 = arith.constant 0 : i32
      %dma_start3A_374 = tpu.memref_slice %arg11[%run_scoped3A_95, %dma_start3A_373] : memref<4x128xi32, #tpu.memory_space<vmem>> -> memref<1x128xi32, #tpu.memory_space<vmem>>
      %dma_start3A_375 = tpu.memref_squeeze %dma_start3A_374 : memref<1x128xi32, #tpu.memory_space<vmem>> -> memref<128xi32, #tpu.memory_space<vmem>>
      %dma_start3A_376 = tpu.memref_slice %arg3[%add3A_94] : memref<16384xi32, #tpu.memory_space<hbm>> -> memref<128xi32, #tpu.memory_space<hbm>>
      %dma_start3A_377 = arith.constant 0 : i32
      %dma_start3A_378 = tpu.memref_slice %arg11[%run_scoped3A_95, %dma_start3A_377] : memref<4x128xi32, #tpu.memory_space<vmem>> -> memref<1x128xi32, #tpu.memory_space<vmem>>
      %dma_start3A_379 = tpu.memref_squeeze %dma_start3A_378 : memref<1x128xi32, #tpu.memory_space<vmem>> -> memref<128xi32, #tpu.memory_space<vmem>>
      %dma_start3A_380 = tpu.memref_slice %arg3[%add3A_94] : memref<16384xi32, #tpu.memory_space<hbm>> -> memref<128xi32, #tpu.memory_space<hbm>>
      tpu.enqueue_dma source(%dma_start3A_380 : memref<128xi32, #tpu.memory_space<hbm>>) target(%dma_start3A_379 : memref<128xi32, #tpu.memory_space<vmem>>) target_semaphore(%run_scoped3A_372 : memref<!tpu.dma_semaphore, #tpu.memory_space<semaphore_mem>>)
      %dma_wait3A_381 = arith.constant 0 : i32
      %dma_wait3A_382 = tpu.memref_slice %arg11[%run_scoped3A_95, %dma_wait3A_381] : memref<4x128xi32, #tpu.memory_space<vmem>> -> memref<1x128xi32, #tpu.memory_space<vmem>>
      %dma_wait3A_383 = tpu.memref_squeeze %dma_wait3A_382 : memref<1x128xi32, #tpu.memory_space<vmem>> -> memref<128xi32, #tpu.memory_space<vmem>>
      %dma_wait3A_384 = tpu.memref_slice %arg3[%add3A_94] : memref<16384xi32, #tpu.memory_space<hbm>> -> memref<128xi32, #tpu.memory_space<hbm>>
      %dma_wait3A_385 = arith.constant 0 : i32
      %dma_wait3A_386 = tpu.memref_slice %arg11[%run_scoped3A_95, %dma_wait3A_385] : memref<4x128xi32, #tpu.memory_space<vmem>> -> memref<1x128xi32, #tpu.memory_space<vmem>>
      %dma_wait3A_387 = tpu.memref_squeeze %dma_wait3A_386 : memref<1x128xi32, #tpu.memory_space<vmem>> -> memref<128xi32, #tpu.memory_space<vmem>>
      %dma_wait3A_388 = tpu.memref_slice %arg3[%add3A_94] : memref<16384xi32, #tpu.memory_space<hbm>> -> memref<128xi32, #tpu.memory_space<hbm>>
      tpu.wait_dma2 semaphore(%run_scoped3A_372 : memref<!tpu.dma_semaphore, #tpu.memory_space<semaphore_mem>>) src(%dma_wait3A_388 : memref<128xi32, #tpu.memory_space<hbm>>) dst(%dma_wait3A_387 : memref<128xi32, #tpu.memory_space<vmem>>)
      tpu.yield
    }) : () -> ()
    %add3A_96 = arith.constant 128 : i32
    %add3A_97 = arith.addi %mul3A_2, %add3A_96 : i32
    %run_scoped3A_98 = arith.constant 1 : i32
    "tpu.region"() ({
      %run_scoped3A_372 = tpu.sem_alloc : memref<!tpu.dma_semaphore, #tpu.memory_space<semaphore_mem>>
      %dma_start3A_373 = arith.constant 0 : i32
      %dma_start3A_374 = tpu.memref_slice %arg11[%run_scoped3A_98, %dma_start3A_373] : memref<4x128xi32, #tpu.memory_space<vmem>> -> memref<1x128xi32, #tpu.memory_space<vmem>>
      %dma_start3A_375 = tpu.memref_squeeze %dma_start3A_374 : memref<1x128xi32, #tpu.memory_space<vmem>> -> memref<128xi32, #tpu.memory_space<vmem>>
      %dma_start3A_376 = tpu.memref_slice %arg3[%add3A_97] : memref<16384xi32, #tpu.memory_space<hbm>> -> memref<128xi32, #tpu.memory_space<hbm>>
      %dma_start3A_377 = arith.constant 0 : i32
      %dma_start3A_378 = tpu.memref_slice %arg11[%run_scoped3A_98, %dma_start3A_377] : memref<4x128xi32, #tpu.memory_space<vmem>> -> memref<1x128xi32, #tpu.memory_space<vmem>>
      %dma_start3A_379 = tpu.memref_squeeze %dma_start3A_378 : memref<1x128xi32, #tpu.memory_space<vmem>> -> memref<128xi32, #tpu.memory_space<vmem>>
      %dma_start3A_380 = tpu.memref_slice %arg3[%add3A_97] : memref<16384xi32, #tpu.memory_space<hbm>> -> memref<128xi32, #tpu.memory_space<hbm>>
      tpu.enqueue_dma source(%dma_start3A_380 : memref<128xi32, #tpu.memory_space<hbm>>) target(%dma_start3A_379 : memref<128xi32, #tpu.memory_space<vmem>>) target_semaphore(%run_scoped3A_372 : memref<!tpu.dma_semaphore, #tpu.memory_space<semaphore_mem>>)
      %dma_wait3A_381 = arith.constant 0 : i32
      %dma_wait3A_382 = tpu.memref_slice %arg11[%run_scoped3A_98, %dma_wait3A_381] : memref<4x128xi32, #tpu.memory_space<vmem>> -> memref<1x128xi32, #tpu.memory_space<vmem>>
      %dma_wait3A_383 = tpu.memref_squeeze %dma_wait3A_382 : memref<1x128xi32, #tpu.memory_space<vmem>> -> memref<128xi32, #tpu.memory_space<vmem>>
      %dma_wait3A_384 = tpu.memref_slice %arg3[%add3A_97] : memref<16384xi32, #tpu.memory_space<hbm>> -> memref<128xi32, #tpu.memory_space<hbm>>
      %dma_wait3A_385 = arith.constant 0 : i32
      %dma_wait3A_386 = tpu.memref_slice %arg11[%run_scoped3A_98, %dma_wait3A_385] : memref<4x128xi32, #tpu.memory_space<vmem>> -> memref<1x128xi32, #tpu.memory_space<vmem>>
      %dma_wait3A_387 = tpu.memref_squeeze %dma_wait3A_386 : memref<1x128xi32, #tpu.memory_space<vmem>> -> memref<128xi32, #tpu.memory_space<vmem>>
      %dma_wait3A_388 = tpu.memref_slice %arg3[%add3A_97] : memref<16384xi32, #tpu.memory_space<hbm>> -> memref<128xi32, #tpu.memory_space<hbm>>
      tpu.wait_dma2 semaphore(%run_scoped3A_372 : memref<!tpu.dma_semaphore, #tpu.memory_space<semaphore_mem>>) src(%dma_wait3A_388 : memref<128xi32, #tpu.memory_space<hbm>>) dst(%dma_wait3A_387 : memref<128xi32, #tpu.memory_space<vmem>>)
      tpu.yield
    }) : () -> ()
    %add3A_99 = arith.constant 256 : i32
    %add3A_100 = arith.addi %mul3A_2, %add3A_99 : i32
    %run_scoped3A_101 = arith.constant 2 : i32
    "tpu.region"() ({
      %run_scoped3A_372 = tpu.sem_alloc : memref<!tpu.dma_semaphore, #tpu.memory_space<semaphore_mem>>
      %dma_start3A_373 = arith.constant 0 : i32
      %dma_start3A_374 = tpu.memref_slice %arg11[%run_scoped3A_101, %dma_start3A_373] : memref<4x128xi32, #tpu.memory_space<vmem>> -> memref<1x128xi32, #tpu.memory_space<vmem>>
      %dma_start3A_375 = tpu.memref_squeeze %dma_start3A_374 : memref<1x128xi32, #tpu.memory_space<vmem>> -> memref<128xi32, #tpu.memory_space<vmem>>
      %dma_start3A_376 = tpu.memref_slice %arg3[%add3A_100] : memref<16384xi32, #tpu.memory_space<hbm>> -> memref<128xi32, #tpu.memory_space<hbm>>
      %dma_start3A_377 = arith.constant 0 : i32
      %dma_start3A_378 = tpu.memref_slice %arg11[%run_scoped3A_101, %dma_start3A_377] : memref<4x128xi32, #tpu.memory_space<vmem>> -> memref<1x128xi32, #tpu.memory_space<vmem>>
      %dma_start3A_379 = tpu.memref_squeeze %dma_start3A_378 : memref<1x128xi32, #tpu.memory_space<vmem>> -> memref<128xi32, #tpu.memory_space<vmem>>
      %dma_start3A_380 = tpu.memref_slice %arg3[%add3A_100] : memref<16384xi32, #tpu.memory_space<hbm>> -> memref<128xi32, #tpu.memory_space<hbm>>
      tpu.enqueue_dma source(%dma_start3A_380 : memref<128xi32, #tpu.memory_space<hbm>>) target(%dma_start3A_379 : memref<128xi32, #tpu.memory_space<vmem>>) target_semaphore(%run_scoped3A_372 : memref<!tpu.dma_semaphore, #tpu.memory_space<semaphore_mem>>)
      %dma_wait3A_381 = arith.constant 0 : i32
      %dma_wait3A_382 = tpu.memref_slice %arg11[%run_scoped3A_101, %dma_wait3A_381] : memref<4x128xi32, #tpu.memory_space<vmem>> -> memref<1x128xi32, #tpu.memory_space<vmem>>
      %dma_wait3A_383 = tpu.memref_squeeze %dma_wait3A_382 : memref<1x128xi32, #tpu.memory_space<vmem>> -> memref<128xi32, #tpu.memory_space<vmem>>
      %dma_wait3A_384 = tpu.memref_slice %arg3[%add3A_100] : memref<16384xi32, #tpu.memory_space<hbm>> -> memref<128xi32, #tpu.memory_space<hbm>>
      %dma_wait3A_385 = arith.constant 0 : i32
      %dma_wait3A_386 = tpu.memref_slice %arg11[%run_scoped3A_101, %dma_wait3A_385] : memref<4x128xi32, #tpu.memory_space<vmem>> -> memref<1x128xi32, #tpu.memory_space<vmem>>
      %dma_wait3A_387 = tpu.memref_squeeze %dma_wait3A_386 : memref<1x128xi32, #tpu.memory_space<vmem>> -> memref<128xi32, #tpu.memory_space<vmem>>
      %dma_wait3A_388 = tpu.memref_slice %arg3[%add3A_100] : memref<16384xi32, #tpu.memory_space<hbm>> -> memref<128xi32, #tpu.memory_space<hbm>>
      tpu.wait_dma2 semaphore(%run_scoped3A_372 : memref<!tpu.dma_semaphore, #tpu.memory_space<semaphore_mem>>) src(%dma_wait3A_388 : memref<128xi32, #tpu.memory_space<hbm>>) dst(%dma_wait3A_387 : memref<128xi32, #tpu.memory_space<vmem>>)
      tpu.yield
    }) : () -> ()
    %add3A_102 = arith.constant 384 : i32
    %add3A_103 = arith.addi %mul3A_2, %add3A_102 : i32
    %run_scoped3A_104 = arith.constant 3 : i32
    "tpu.region"() ({
      %run_scoped3A_372 = tpu.sem_alloc : memref<!tpu.dma_semaphore, #tpu.memory_space<semaphore_mem>>
      %dma_start3A_373 = arith.constant 0 : i32
      %dma_start3A_374 = tpu.memref_slice %arg11[%run_scoped3A_104, %dma_start3A_373] : memref<4x128xi32, #tpu.memory_space<vmem>> -> memref<1x128xi32, #tpu.memory_space<vmem>>
      %dma_start3A_375 = tpu.memref_squeeze %dma_start3A_374 : memref<1x128xi32, #tpu.memory_space<vmem>> -> memref<128xi32, #tpu.memory_space<vmem>>
      %dma_start3A_376 = tpu.memref_slice %arg3[%add3A_103] : memref<16384xi32, #tpu.memory_space<hbm>> -> memref<128xi32, #tpu.memory_space<hbm>>
      %dma_start3A_377 = arith.constant 0 : i32
      %dma_start3A_378 = tpu.memref_slice %arg11[%run_scoped3A_104, %dma_start3A_377] : memref<4x128xi32, #tpu.memory_space<vmem>> -> memref<1x128xi32, #tpu.memory_space<vmem>>
      %dma_start3A_379 = tpu.memref_squeeze %dma_start3A_378 : memref<1x128xi32, #tpu.memory_space<vmem>> -> memref<128xi32, #tpu.memory_space<vmem>>
      %dma_start3A_380 = tpu.memref_slice %arg3[%add3A_103] : memref<16384xi32, #tpu.memory_space<hbm>> -> memref<128xi32, #tpu.memory_space<hbm>>
      tpu.enqueue_dma source(%dma_start3A_380 : memref<128xi32, #tpu.memory_space<hbm>>) target(%dma_start3A_379 : memref<128xi32, #tpu.memory_space<vmem>>) target_semaphore(%run_scoped3A_372 : memref<!tpu.dma_semaphore, #tpu.memory_space<semaphore_mem>>)
      %dma_wait3A_381 = arith.constant 0 : i32
      %dma_wait3A_382 = tpu.memref_slice %arg11[%run_scoped3A_104, %dma_wait3A_381] : memref<4x128xi32, #tpu.memory_space<vmem>> -> memref<1x128xi32, #tpu.memory_space<vmem>>
      %dma_wait3A_383 = tpu.memref_squeeze %dma_wait3A_382 : memref<1x128xi32, #tpu.memory_space<vmem>> -> memref<128xi32, #tpu.memory_space<vmem>>
      %dma_wait3A_384 = tpu.memref_slice %arg3[%add3A_103] : memref<16384xi32, #tpu.memory_space<hbm>> -> memref<128xi32, #tpu.memory_space<hbm>>
      %dma_wait3A_385 = arith.constant 0 : i32
      %dma_wait3A_386 = tpu.memref_slice %arg11[%run_scoped3A_104, %dma_wait3A_385] : memref<4x128xi32, #tpu.memory_space<vmem>> -> memref<1x128xi32, #tpu.memory_space<vmem>>
      %dma_wait3A_387 = tpu.memref_squeeze %dma_wait3A_386 : memref<1x128xi32, #tpu.memory_space<vmem>> -> memref<128xi32, #tpu.memory_space<vmem>>
      %dma_wait3A_388 = tpu.memref_slice %arg3[%add3A_103] : memref<16384xi32, #tpu.memory_space<hbm>> -> memref<128xi32, #tpu.memory_space<hbm>>
      tpu.wait_dma2 semaphore(%run_scoped3A_372 : memref<!tpu.dma_semaphore, #tpu.memory_space<semaphore_mem>>) src(%dma_wait3A_388 : memref<128xi32, #tpu.memory_space<hbm>>) dst(%dma_wait3A_387 : memref<128xi32, #tpu.memory_space<vmem>>)
      tpu.yield
    }) : () -> ()
    %dma_start3A_105 = arith.constant 0 : i32
    %dma_start3A_106 = arith.constant 0 : i32
    %dma_start3A_107 = arith.constant 0 : i32
    %dma_start3A_108 = tpu.memref_slice %arg12[%dma_start3A_106, %dma_start3A_107] : memref<512x64xf32, #tpu.memory_space<vmem>> -> memref<128x64xf32, #tpu.memory_space<vmem>>
    %dma_start3A_109 = arith.constant 0 : i32
    %dma_start3A_110 = tpu.memref_slice %arg11[%dma_start3A_105, %dma_start3A_109] : memref<4x128xi32, #tpu.memory_space<vmem>> -> memref<1x128xi32, #tpu.memory_space<vmem>>
    %dma_start3A_111 = tpu.memref_squeeze %dma_start3A_110 : memref<1x128xi32, #tpu.memory_space<vmem>> -> memref<128xi32, #tpu.memory_space<vmem>>
    %dma_start3A_112 = arith.constant 0 : i32
    %dma_start3A_113 = arith.constant 0 : i32
    %dma_start3A_114 = tpu.memref_slice %arg7[%dma_start3A_112, %dma_start3A_113] : memref<100000x64xf32, #tpu.memory_space<hbm>> -> memref<100000x64xf32, #tpu.memory_space<hbm>>
    tpu.enqueue_indirect_dma source(%dma_start3A_114 : memref<100000x64xf32, #tpu.memory_space<hbm>>) target(%dma_start3A_108 : memref<128x64xf32, #tpu.memory_space<vmem>>) offsets(%dma_start3A_111 : memref<128xi32, #tpu.memory_space<vmem>>) semaphore(%arg13 : memref<!tpu.dma_semaphore, #tpu.memory_space<semaphore_mem>>)
    %dma_start3A_115 = arith.constant 1 : i32
    %dma_start3A_116 = arith.constant 128 : i32
    %dma_start3A_117 = arith.constant 0 : i32
    %dma_start3A_118 = tpu.memref_slice %arg12[%dma_start3A_116, %dma_start3A_117] : memref<512x64xf32, #tpu.memory_space<vmem>> -> memref<128x64xf32, #tpu.memory_space<vmem>>
    %dma_start3A_119 = arith.constant 0 : i32
    %dma_start3A_120 = tpu.memref_slice %arg11[%dma_start3A_115, %dma_start3A_119] : memref<4x128xi32, #tpu.memory_space<vmem>> -> memref<1x128xi32, #tpu.memory_space<vmem>>
    %dma_start3A_121 = tpu.memref_squeeze %dma_start3A_120 : memref<1x128xi32, #tpu.memory_space<vmem>> -> memref<128xi32, #tpu.memory_space<vmem>>
    %dma_start3A_122 = arith.constant 0 : i32
    %dma_start3A_123 = arith.constant 0 : i32
    %dma_start3A_124 = tpu.memref_slice %arg7[%dma_start3A_122, %dma_start3A_123] : memref<100000x64xf32, #tpu.memory_space<hbm>> -> memref<100000x64xf32, #tpu.memory_space<hbm>>
    tpu.enqueue_indirect_dma source(%dma_start3A_124 : memref<100000x64xf32, #tpu.memory_space<hbm>>) target(%dma_start3A_118 : memref<128x64xf32, #tpu.memory_space<vmem>>) offsets(%dma_start3A_121 : memref<128xi32, #tpu.memory_space<vmem>>) semaphore(%arg13 : memref<!tpu.dma_semaphore, #tpu.memory_space<semaphore_mem>>)
    %dma_start3A_125 = arith.constant 2 : i32
    %dma_start3A_126 = arith.constant 256 : i32
    %dma_start3A_127 = arith.constant 0 : i32
    %dma_start3A_128 = tpu.memref_slice %arg12[%dma_start3A_126, %dma_start3A_127] : memref<512x64xf32, #tpu.memory_space<vmem>> -> memref<128x64xf32, #tpu.memory_space<vmem>>
    %dma_start3A_129 = arith.constant 0 : i32
    %dma_start3A_130 = tpu.memref_slice %arg11[%dma_start3A_125, %dma_start3A_129] : memref<4x128xi32, #tpu.memory_space<vmem>> -> memref<1x128xi32, #tpu.memory_space<vmem>>
    %dma_start3A_131 = tpu.memref_squeeze %dma_start3A_130 : memref<1x128xi32, #tpu.memory_space<vmem>> -> memref<128xi32, #tpu.memory_space<vmem>>
    %dma_start3A_132 = arith.constant 0 : i32
    %dma_start3A_133 = arith.constant 0 : i32
    %dma_start3A_134 = tpu.memref_slice %arg7[%dma_start3A_132, %dma_start3A_133] : memref<100000x64xf32, #tpu.memory_space<hbm>> -> memref<100000x64xf32, #tpu.memory_space<hbm>>
    tpu.enqueue_indirect_dma source(%dma_start3A_134 : memref<100000x64xf32, #tpu.memory_space<hbm>>) target(%dma_start3A_128 : memref<128x64xf32, #tpu.memory_space<vmem>>) offsets(%dma_start3A_131 : memref<128xi32, #tpu.memory_space<vmem>>) semaphore(%arg13 : memref<!tpu.dma_semaphore, #tpu.memory_space<semaphore_mem>>)
    %dma_start3A_135 = arith.constant 3 : i32
    %dma_start3A_136 = arith.constant 384 : i32
    %dma_start3A_137 = arith.constant 0 : i32
    %dma_start3A_138 = tpu.memref_slice %arg12[%dma_start3A_136, %dma_start3A_137] : memref<512x64xf32, #tpu.memory_space<vmem>> -> memref<128x64xf32, #tpu.memory_space<vmem>>
    %dma_start3A_139 = arith.constant 0 : i32
    %dma_start3A_140 = tpu.memref_slice %arg11[%dma_start3A_135, %dma_start3A_139] : memref<4x128xi32, #tpu.memory_space<vmem>> -> memref<1x128xi32, #tpu.memory_space<vmem>>
    %dma_start3A_141 = tpu.memref_squeeze %dma_start3A_140 : memref<1x128xi32, #tpu.memory_space<vmem>> -> memref<128xi32, #tpu.memory_space<vmem>>
    %dma_start3A_142 = arith.constant 0 : i32
    %dma_start3A_143 = arith.constant 0 : i32
    %dma_start3A_144 = tpu.memref_slice %arg7[%dma_start3A_142, %dma_start3A_143] : memref<100000x64xf32, #tpu.memory_space<hbm>> -> memref<100000x64xf32, #tpu.memory_space<hbm>>
    tpu.enqueue_indirect_dma source(%dma_start3A_144 : memref<100000x64xf32, #tpu.memory_space<hbm>>) target(%dma_start3A_138 : memref<128x64xf32, #tpu.memory_space<vmem>>) offsets(%dma_start3A_141 : memref<128xi32, #tpu.memory_space<vmem>>) semaphore(%arg13 : memref<!tpu.dma_semaphore, #tpu.memory_space<semaphore_mem>>)
    %dma_wait3A_145 = arith.constant 0 : i32
    %dma_wait3A_146 = arith.constant 0 : i32
    %dma_wait3A_147 = arith.constant 0 : i32
    %dma_wait3A_148 = tpu.memref_slice %arg12[%dma_wait3A_146, %dma_wait3A_147] : memref<512x64xf32, #tpu.memory_space<vmem>> -> memref<128x64xf32, #tpu.memory_space<vmem>>
    %dma_wait3A_149 = arith.constant 0 : i32
    %dma_wait3A_150 = tpu.memref_slice %arg11[%dma_wait3A_145, %dma_wait3A_149] : memref<4x128xi32, #tpu.memory_space<vmem>> -> memref<1x128xi32, #tpu.memory_space<vmem>>
    %dma_wait3A_151 = tpu.memref_squeeze %dma_wait3A_150 : memref<1x128xi32, #tpu.memory_space<vmem>> -> memref<128xi32, #tpu.memory_space<vmem>>
    %dma_wait3A_152 = arith.constant 0 : i32
    %dma_wait3A_153 = arith.constant 0 : i32
    %dma_wait3A_154 = tpu.memref_slice %arg7[%dma_wait3A_152, %dma_wait3A_153] : memref<100000x64xf32, #tpu.memory_space<hbm>> -> memref<100000x64xf32, #tpu.memory_space<hbm>>
    tpu.wait_indirect_dma semaphore(%arg13 : memref<!tpu.dma_semaphore, #tpu.memory_space<semaphore_mem>>) src(%dma_wait3A_154 : memref<100000x64xf32, #tpu.memory_space<hbm>>) dst(%dma_wait3A_148 : memref<128x64xf32, #tpu.memory_space<vmem>>)
    %dma_wait3A_155 = arith.constant 1 : i32
    %dma_wait3A_156 = arith.constant 128 : i32
    %dma_wait3A_157 = arith.constant 0 : i32
    %dma_wait3A_158 = tpu.memref_slice %arg12[%dma_wait3A_156, %dma_wait3A_157] : memref<512x64xf32, #tpu.memory_space<vmem>> -> memref<128x64xf32, #tpu.memory_space<vmem>>
    %dma_wait3A_159 = arith.constant 0 : i32
    %dma_wait3A_160 = tpu.memref_slice %arg11[%dma_wait3A_155, %dma_wait3A_159] : memref<4x128xi32, #tpu.memory_space<vmem>> -> memref<1x128xi32, #tpu.memory_space<vmem>>
    %dma_wait3A_161 = tpu.memref_squeeze %dma_wait3A_160 : memref<1x128xi32, #tpu.memory_space<vmem>> -> memref<128xi32, #tpu.memory_space<vmem>>
    %dma_wait3A_162 = arith.constant 0 : i32
    %dma_wait3A_163 = arith.constant 0 : i32
    %dma_wait3A_164 = tpu.memref_slice %arg7[%dma_wait3A_162, %dma_wait3A_163] : memref<100000x64xf32, #tpu.memory_space<hbm>> -> memref<100000x64xf32, #tpu.memory_space<hbm>>
    tpu.wait_indirect_dma semaphore(%arg13 : memref<!tpu.dma_semaphore, #tpu.memory_space<semaphore_mem>>) src(%dma_wait3A_164 : memref<100000x64xf32, #tpu.memory_space<hbm>>) dst(%dma_wait3A_158 : memref<128x64xf32, #tpu.memory_space<vmem>>)
    %dma_wait3A_165 = arith.constant 2 : i32
    %dma_wait3A_166 = arith.constant 256 : i32
    %dma_wait3A_167 = arith.constant 0 : i32
    %dma_wait3A_168 = tpu.memref_slice %arg12[%dma_wait3A_166, %dma_wait3A_167] : memref<512x64xf32, #tpu.memory_space<vmem>> -> memref<128x64xf32, #tpu.memory_space<vmem>>
    %dma_wait3A_169 = arith.constant 0 : i32
    %dma_wait3A_170 = tpu.memref_slice %arg11[%dma_wait3A_165, %dma_wait3A_169] : memref<4x128xi32, #tpu.memory_space<vmem>> -> memref<1x128xi32, #tpu.memory_space<vmem>>
    %dma_wait3A_171 = tpu.memref_squeeze %dma_wait3A_170 : memref<1x128xi32, #tpu.memory_space<vmem>> -> memref<128xi32, #tpu.memory_space<vmem>>
    %dma_wait3A_172 = arith.constant 0 : i32
    %dma_wait3A_173 = arith.constant 0 : i32
    %dma_wait3A_174 = tpu.memref_slice %arg7[%dma_wait3A_172, %dma_wait3A_173] : memref<100000x64xf32, #tpu.memory_space<hbm>> -> memref<100000x64xf32, #tpu.memory_space<hbm>>
    tpu.wait_indirect_dma semaphore(%arg13 : memref<!tpu.dma_semaphore, #tpu.memory_space<semaphore_mem>>) src(%dma_wait3A_174 : memref<100000x64xf32, #tpu.memory_space<hbm>>) dst(%dma_wait3A_168 : memref<128x64xf32, #tpu.memory_space<vmem>>)
    %dma_wait3A_175 = arith.constant 3 : i32
    %dma_wait3A_176 = arith.constant 384 : i32
    %dma_wait3A_177 = arith.constant 0 : i32
    %dma_wait3A_178 = tpu.memref_slice %arg12[%dma_wait3A_176, %dma_wait3A_177] : memref<512x64xf32, #tpu.memory_space<vmem>> -> memref<128x64xf32, #tpu.memory_space<vmem>>
    %dma_wait3A_179 = arith.constant 0 : i32
    %dma_wait3A_180 = tpu.memref_slice %arg11[%dma_wait3A_175, %dma_wait3A_179] : memref<4x128xi32, #tpu.memory_space<vmem>> -> memref<1x128xi32, #tpu.memory_space<vmem>>
    %dma_wait3A_181 = tpu.memref_squeeze %dma_wait3A_180 : memref<1x128xi32, #tpu.memory_space<vmem>> -> memref<128xi32, #tpu.memory_space<vmem>>
    %dma_wait3A_182 = arith.constant 0 : i32
    %dma_wait3A_183 = arith.constant 0 : i32
    %dma_wait3A_184 = tpu.memref_slice %arg7[%dma_wait3A_182, %dma_wait3A_183] : memref<100000x64xf32, #tpu.memory_space<hbm>> -> memref<100000x64xf32, #tpu.memory_space<hbm>>
    tpu.wait_indirect_dma semaphore(%arg13 : memref<!tpu.dma_semaphore, #tpu.memory_space<semaphore_mem>>) src(%dma_wait3A_184 : memref<100000x64xf32, #tpu.memory_space<hbm>>) dst(%dma_wait3A_178 : memref<128x64xf32, #tpu.memory_space<vmem>>)
    %run_scoped3A_185 = arith.constant 1 : i32
    "tpu.region"() ({
      %run_scoped3A_372 = tpu.sem_alloc : memref<!tpu.dma_semaphore, #tpu.memory_space<semaphore_mem>>
      %dma_start3A_373 = arith.constant 0 : i32
      %dma_start3A_374 = tpu.memref_slice %arg10[%run_scoped3A_185, %mul3A_2, %dma_start3A_373] : memref<4x16384x64xf32, #tpu.memory_space<hbm>> -> memref<1x512x64xf32, #tpu.memory_space<hbm>>
      %dma_start3A_375 = tpu.memref_squeeze %dma_start3A_374 : memref<1x512x64xf32, #tpu.memory_space<hbm>> -> memref<512x64xf32, #tpu.memory_space<hbm>>
      %dma_start3A_376 = arith.constant 0 : i32
      %dma_start3A_377 = tpu.memref_slice %arg10[%run_scoped3A_185, %mul3A_2, %dma_start3A_376] : memref<4x16384x64xf32, #tpu.memory_space<hbm>> -> memref<1x512x64xf32, #tpu.memory_space<hbm>>
      %dma_start3A_378 = tpu.memref_squeeze %dma_start3A_377 : memref<1x512x64xf32, #tpu.memory_space<hbm>> -> memref<512x64xf32, #tpu.memory_space<hbm>>
      tpu.enqueue_dma source(%arg12 : memref<512x64xf32, #tpu.memory_space<vmem>>) target(%dma_start3A_378 : memref<512x64xf32, #tpu.memory_space<hbm>>) target_semaphore(%run_scoped3A_372 : memref<!tpu.dma_semaphore, #tpu.memory_space<semaphore_mem>>)
      %dma_wait3A_379 = arith.constant 0 : i32
      %dma_wait3A_380 = tpu.memref_slice %arg10[%run_scoped3A_185, %mul3A_2, %dma_wait3A_379] : memref<4x16384x64xf32, #tpu.memory_space<hbm>> -> memref<1x512x64xf32, #tpu.memory_space<hbm>>
      %dma_wait3A_381 = tpu.memref_squeeze %dma_wait3A_380 : memref<1x512x64xf32, #tpu.memory_space<hbm>> -> memref<512x64xf32, #tpu.memory_space<hbm>>
      %dma_wait3A_382 = arith.constant 0 : i32
      %dma_wait3A_383 = tpu.memref_slice %arg10[%run_scoped3A_185, %mul3A_2, %dma_wait3A_382] : memref<4x16384x64xf32, #tpu.memory_space<hbm>> -> memref<1x512x64xf32, #tpu.memory_space<hbm>>
      %dma_wait3A_384 = tpu.memref_squeeze %dma_wait3A_383 : memref<1x512x64xf32, #tpu.memory_space<hbm>> -> memref<512x64xf32, #tpu.memory_space<hbm>>
      tpu.wait_dma2 semaphore(%run_scoped3A_372 : memref<!tpu.dma_semaphore, #tpu.memory_space<semaphore_mem>>) src(%arg12 : memref<512x64xf32, #tpu.memory_space<vmem>>) dst(%dma_wait3A_384 : memref<512x64xf32, #tpu.memory_space<hbm>>)
      tpu.yield
    }) : () -> ()
    %add3A_186 = arith.constant 0 : i32
    %add3A_187 = arith.addi %mul3A_2, %add3A_186 : i32
    %run_scoped3A_188 = arith.constant 0 : i32
    "tpu.region"() ({
      %run_scoped3A_372 = tpu.sem_alloc : memref<!tpu.dma_semaphore, #tpu.memory_space<semaphore_mem>>
      %dma_start3A_373 = arith.constant 0 : i32
      %dma_start3A_374 = tpu.memref_slice %arg11[%run_scoped3A_188, %dma_start3A_373] : memref<4x128xi32, #tpu.memory_space<vmem>> -> memref<1x128xi32, #tpu.memory_space<vmem>>
      %dma_start3A_375 = tpu.memref_squeeze %dma_start3A_374 : memref<1x128xi32, #tpu.memory_space<vmem>> -> memref<128xi32, #tpu.memory_space<vmem>>
      %dma_start3A_376 = tpu.memref_slice %arg4[%add3A_187] : memref<16384xi32, #tpu.memory_space<hbm>> -> memref<128xi32, #tpu.memory_space<hbm>>
      %dma_start3A_377 = arith.constant 0 : i32
      %dma_start3A_378 = tpu.memref_slice %arg11[%run_scoped3A_188, %dma_start3A_377] : memref<4x128xi32, #tpu.memory_space<vmem>> -> memref<1x128xi32, #tpu.memory_space<vmem>>
      %dma_start3A_379 = tpu.memref_squeeze %dma_start3A_378 : memref<1x128xi32, #tpu.memory_space<vmem>> -> memref<128xi32, #tpu.memory_space<vmem>>
      %dma_start3A_380 = tpu.memref_slice %arg4[%add3A_187] : memref<16384xi32, #tpu.memory_space<hbm>> -> memref<128xi32, #tpu.memory_space<hbm>>
      tpu.enqueue_dma source(%dma_start3A_380 : memref<128xi32, #tpu.memory_space<hbm>>) target(%dma_start3A_379 : memref<128xi32, #tpu.memory_space<vmem>>) target_semaphore(%run_scoped3A_372 : memref<!tpu.dma_semaphore, #tpu.memory_space<semaphore_mem>>)
      %dma_wait3A_381 = arith.constant 0 : i32
      %dma_wait3A_382 = tpu.memref_slice %arg11[%run_scoped3A_188, %dma_wait3A_381] : memref<4x128xi32, #tpu.memory_space<vmem>> -> memref<1x128xi32, #tpu.memory_space<vmem>>
      %dma_wait3A_383 = tpu.memref_squeeze %dma_wait3A_382 : memref<1x128xi32, #tpu.memory_space<vmem>> -> memref<128xi32, #tpu.memory_space<vmem>>
      %dma_wait3A_384 = tpu.memref_slice %arg4[%add3A_187] : memref<16384xi32, #tpu.memory_space<hbm>> -> memref<128xi32, #tpu.memory_space<hbm>>
      %dma_wait3A_385 = arith.constant 0 : i32
      %dma_wait3A_386 = tpu.memref_slice %arg11[%run_scoped3A_188, %dma_wait3A_385] : memref<4x128xi32, #tpu.memory_space<vmem>> -> memref<1x128xi32, #tpu.memory_space<vmem>>
      %dma_wait3A_387 = tpu.memref_squeeze %dma_wait3A_386 : memref<1x128xi32, #tpu.memory_space<vmem>> -> memref<128xi32, #tpu.memory_space<vmem>>
      %dma_wait3A_388 = tpu.memref_slice %arg4[%add3A_187] : memref<16384xi32, #tpu.memory_space<hbm>> -> memref<128xi32, #tpu.memory_space<hbm>>
      tpu.wait_dma2 semaphore(%run_scoped3A_372 : memref<!tpu.dma_semaphore, #tpu.memory_space<semaphore_mem>>) src(%dma_wait3A_388 : memref<128xi32, #tpu.memory_space<hbm>>) dst(%dma_wait3A_387 : memref<128xi32, #tpu.memory_space<vmem>>)
      tpu.yield
    }) : () -> ()
    %add3A_189 = arith.constant 128 : i32
    %add3A_190 = arith.addi %mul3A_2, %add3A_189 : i32
    %run_scoped3A_191 = arith.constant 1 : i32
    "tpu.region"() ({
      %run_scoped3A_372 = tpu.sem_alloc : memref<!tpu.dma_semaphore, #tpu.memory_space<semaphore_mem>>
      %dma_start3A_373 = arith.constant 0 : i32
      %dma_start3A_374 = tpu.memref_slice %arg11[%run_scoped3A_191, %dma_start3A_373] : memref<4x128xi32, #tpu.memory_space<vmem>> -> memref<1x128xi32, #tpu.memory_space<vmem>>
      %dma_start3A_375 = tpu.memref_squeeze %dma_start3A_374 : memref<1x128xi32, #tpu.memory_space<vmem>> -> memref<128xi32, #tpu.memory_space<vmem>>
      %dma_start3A_376 = tpu.memref_slice %arg4[%add3A_190] : memref<16384xi32, #tpu.memory_space<hbm>> -> memref<128xi32, #tpu.memory_space<hbm>>
      %dma_start3A_377 = arith.constant 0 : i32
      %dma_start3A_378 = tpu.memref_slice %arg11[%run_scoped3A_191, %dma_start3A_377] : memref<4x128xi32, #tpu.memory_space<vmem>> -> memref<1x128xi32, #tpu.memory_space<vmem>>
      %dma_start3A_379 = tpu.memref_squeeze %dma_start3A_378 : memref<1x128xi32, #tpu.memory_space<vmem>> -> memref<128xi32, #tpu.memory_space<vmem>>
      %dma_start3A_380 = tpu.memref_slice %arg4[%add3A_190] : memref<16384xi32, #tpu.memory_space<hbm>> -> memref<128xi32, #tpu.memory_space<hbm>>
      tpu.enqueue_dma source(%dma_start3A_380 : memref<128xi32, #tpu.memory_space<hbm>>) target(%dma_start3A_379 : memref<128xi32, #tpu.memory_space<vmem>>) target_semaphore(%run_scoped3A_372 : memref<!tpu.dma_semaphore, #tpu.memory_space<semaphore_mem>>)
      %dma_wait3A_381 = arith.constant 0 : i32
      %dma_wait3A_382 = tpu.memref_slice %arg11[%run_scoped3A_191, %dma_wait3A_381] : memref<4x128xi32, #tpu.memory_space<vmem>> -> memref<1x128xi32, #tpu.memory_space<vmem>>
      %dma_wait3A_383 = tpu.memref_squeeze %dma_wait3A_382 : memref<1x128xi32, #tpu.memory_space<vmem>> -> memref<128xi32, #tpu.memory_space<vmem>>
      %dma_wait3A_384 = tpu.memref_slice %arg4[%add3A_190] : memref<16384xi32, #tpu.memory_space<hbm>> -> memref<128xi32, #tpu.memory_space<hbm>>
      %dma_wait3A_385 = arith.constant 0 : i32
      %dma_wait3A_386 = tpu.memref_slice %arg11[%run_scoped3A_191, %dma_wait3A_385] : memref<4x128xi32, #tpu.memory_space<vmem>> -> memref<1x128xi32, #tpu.memory_space<vmem>>
      %dma_wait3A_387 = tpu.memref_squeeze %dma_wait3A_386 : memref<1x128xi32, #tpu.memory_space<vmem>> -> memref<128xi32, #tpu.memory_space<vmem>>
      %dma_wait3A_388 = tpu.memref_slice %arg4[%add3A_190] : memref<16384xi32, #tpu.memory_space<hbm>> -> memref<128xi32, #tpu.memory_space<hbm>>
      tpu.wait_dma2 semaphore(%run_scoped3A_372 : memref<!tpu.dma_semaphore, #tpu.memory_space<semaphore_mem>>) src(%dma_wait3A_388 : memref<128xi32, #tpu.memory_space<hbm>>) dst(%dma_wait3A_387 : memref<128xi32, #tpu.memory_space<vmem>>)
      tpu.yield
    }) : () -> ()
    %add3A_192 = arith.constant 256 : i32
    %add3A_193 = arith.addi %mul3A_2, %add3A_192 : i32
    %run_scoped3A_194 = arith.constant 2 : i32
    "tpu.region"() ({
      %run_scoped3A_372 = tpu.sem_alloc : memref<!tpu.dma_semaphore, #tpu.memory_space<semaphore_mem>>
      %dma_start3A_373 = arith.constant 0 : i32
      %dma_start3A_374 = tpu.memref_slice %arg11[%run_scoped3A_194, %dma_start3A_373] : memref<4x128xi32, #tpu.memory_space<vmem>> -> memref<1x128xi32, #tpu.memory_space<vmem>>
      %dma_start3A_375 = tpu.memref_squeeze %dma_start3A_374 : memref<1x128xi32, #tpu.memory_space<vmem>> -> memref<128xi32, #tpu.memory_space<vmem>>
      %dma_start3A_376 = tpu.memref_slice %arg4[%add3A_193] : memref<16384xi32, #tpu.memory_space<hbm>> -> memref<128xi32, #tpu.memory_space<hbm>>
      %dma_start3A_377 = arith.constant 0 : i32
      %dma_start3A_378 = tpu.memref_slice %arg11[%run_scoped3A_194, %dma_start3A_377] : memref<4x128xi32, #tpu.memory_space<vmem>> -> memref<1x128xi32, #tpu.memory_space<vmem>>
      %dma_start3A_379 = tpu.memref_squeeze %dma_start3A_378 : memref<1x128xi32, #tpu.memory_space<vmem>> -> memref<128xi32, #tpu.memory_space<vmem>>
      %dma_start3A_380 = tpu.memref_slice %arg4[%add3A_193] : memref<16384xi32, #tpu.memory_space<hbm>> -> memref<128xi32, #tpu.memory_space<hbm>>
      tpu.enqueue_dma source(%dma_start3A_380 : memref<128xi32, #tpu.memory_space<hbm>>) target(%dma_start3A_379 : memref<128xi32, #tpu.memory_space<vmem>>) target_semaphore(%run_scoped3A_372 : memref<!tpu.dma_semaphore, #tpu.memory_space<semaphore_mem>>)
      %dma_wait3A_381 = arith.constant 0 : i32
      %dma_wait3A_382 = tpu.memref_slice %arg11[%run_scoped3A_194, %dma_wait3A_381] : memref<4x128xi32, #tpu.memory_space<vmem>> -> memref<1x128xi32, #tpu.memory_space<vmem>>
      %dma_wait3A_383 = tpu.memref_squeeze %dma_wait3A_382 : memref<1x128xi32, #tpu.memory_space<vmem>> -> memref<128xi32, #tpu.memory_space<vmem>>
      %dma_wait3A_384 = tpu.memref_slice %arg4[%add3A_193] : memref<16384xi32, #tpu.memory_space<hbm>> -> memref<128xi32, #tpu.memory_space<hbm>>
      %dma_wait3A_385 = arith.constant 0 : i32
      %dma_wait3A_386 = tpu.memref_slice %arg11[%run_scoped3A_194, %dma_wait3A_385] : memref<4x128xi32, #tpu.memory_space<vmem>> -> memref<1x128xi32, #tpu.memory_space<vmem>>
      %dma_wait3A_387 = tpu.memref_squeeze %dma_wait3A_386 : memref<1x128xi32, #tpu.memory_space<vmem>> -> memref<128xi32, #tpu.memory_space<vmem>>
      %dma_wait3A_388 = tpu.memref_slice %arg4[%add3A_193] : memref<16384xi32, #tpu.memory_space<hbm>> -> memref<128xi32, #tpu.memory_space<hbm>>
      tpu.wait_dma2 semaphore(%run_scoped3A_372 : memref<!tpu.dma_semaphore, #tpu.memory_space<semaphore_mem>>) src(%dma_wait3A_388 : memref<128xi32, #tpu.memory_space<hbm>>) dst(%dma_wait3A_387 : memref<128xi32, #tpu.memory_space<vmem>>)
      tpu.yield
    }) : () -> ()
    %add3A_195 = arith.constant 384 : i32
    %add3A_196 = arith.addi %mul3A_2, %add3A_195 : i32
    %run_scoped3A_197 = arith.constant 3 : i32
    "tpu.region"() ({
      %run_scoped3A_372 = tpu.sem_alloc : memref<!tpu.dma_semaphore, #tpu.memory_space<semaphore_mem>>
      %dma_start3A_373 = arith.constant 0 : i32
      %dma_start3A_374 = tpu.memref_slice %arg11[%run_scoped3A_197, %dma_start3A_373] : memref<4x128xi32, #tpu.memory_space<vmem>> -> memref<1x128xi32, #tpu.memory_space<vmem>>
      %dma_start3A_375 = tpu.memref_squeeze %dma_start3A_374 : memref<1x128xi32, #tpu.memory_space<vmem>> -> memref<128xi32, #tpu.memory_space<vmem>>
      %dma_start3A_376 = tpu.memref_slice %arg4[%add3A_196] : memref<16384xi32, #tpu.memory_space<hbm>> -> memref<128xi32, #tpu.memory_space<hbm>>
      %dma_start3A_377 = arith.constant 0 : i32
      %dma_start3A_378 = tpu.memref_slice %arg11[%run_scoped3A_197, %dma_start3A_377] : memref<4x128xi32, #tpu.memory_space<vmem>> -> memref<1x128xi32, #tpu.memory_space<vmem>>
      %dma_start3A_379 = tpu.memref_squeeze %dma_start3A_378 : memref<1x128xi32, #tpu.memory_space<vmem>> -> memref<128xi32, #tpu.memory_space<vmem>>
      %dma_start3A_380 = tpu.memref_slice %arg4[%add3A_196] : memref<16384xi32, #tpu.memory_space<hbm>> -> memref<128xi32, #tpu.memory_space<hbm>>
      tpu.enqueue_dma source(%dma_start3A_380 : memref<128xi32, #tpu.memory_space<hbm>>) target(%dma_start3A_379 : memref<128xi32, #tpu.memory_space<vmem>>) target_semaphore(%run_scoped3A_372 : memref<!tpu.dma_semaphore, #tpu.memory_space<semaphore_mem>>)
      %dma_wait3A_381 = arith.constant 0 : i32
      %dma_wait3A_382 = tpu.memref_slice %arg11[%run_scoped3A_197, %dma_wait3A_381] : memref<4x128xi32, #tpu.memory_space<vmem>> -> memref<1x128xi32, #tpu.memory_space<vmem>>
      %dma_wait3A_383 = tpu.memref_squeeze %dma_wait3A_382 : memref<1x128xi32, #tpu.memory_space<vmem>> -> memref<128xi32, #tpu.memory_space<vmem>>
      %dma_wait3A_384 = tpu.memref_slice %arg4[%add3A_196] : memref<16384xi32, #tpu.memory_space<hbm>> -> memref<128xi32, #tpu.memory_space<hbm>>
      %dma_wait3A_385 = arith.constant 0 : i32
      %dma_wait3A_386 = tpu.memref_slice %arg11[%run_scoped3A_197, %dma_wait3A_385] : memref<4x128xi32, #tpu.memory_space<vmem>> -> memref<1x128xi32, #tpu.memory_space<vmem>>
      %dma_wait3A_387 = tpu.memref_squeeze %dma_wait3A_386 : memref<1x128xi32, #tpu.memory_space<vmem>> -> memref<128xi32, #tpu.memory_space<vmem>>
      %dma_wait3A_388 = tpu.memref_slice %arg4[%add3A_196] : memref<16384xi32, #tpu.memory_space<hbm>> -> memref<128xi32, #tpu.memory_space<hbm>>
      tpu.wait_dma2 semaphore(%run_scoped3A_372 : memref<!tpu.dma_semaphore, #tpu.memory_space<semaphore_mem>>) src(%dma_wait3A_388 : memref<128xi32, #tpu.memory_space<hbm>>) dst(%dma_wait3A_387 : memref<128xi32, #tpu.memory_space<vmem>>)
      tpu.yield
    }) : () -> ()
    %dma_start3A_198 = arith.constant 0 : i32
    %dma_start3A_199 = arith.constant 0 : i32
    %dma_start3A_200 = arith.constant 0 : i32
    %dma_start3A_201 = tpu.memref_slice %arg12[%dma_start3A_199, %dma_start3A_200] : memref<512x64xf32, #tpu.memory_space<vmem>> -> memref<128x64xf32, #tpu.memory_space<vmem>>
    %dma_start3A_202 = arith.constant 0 : i32
    %dma_start3A_203 = tpu.memref_slice %arg11[%dma_start3A_198, %dma_start3A_202] : memref<4x128xi32, #tpu.memory_space<vmem>> -> memref<1x128xi32, #tpu.memory_space<vmem>>
    %dma_start3A_204 = tpu.memref_squeeze %dma_start3A_203 : memref<1x128xi32, #tpu.memory_space<vmem>> -> memref<128xi32, #tpu.memory_space<vmem>>
    %dma_start3A_205 = arith.constant 0 : i32
    %dma_start3A_206 = arith.constant 0 : i32
    %dma_start3A_207 = tpu.memref_slice %arg8[%dma_start3A_205, %dma_start3A_206] : memref<1000000x64xf32, #tpu.memory_space<hbm>> -> memref<1000000x64xf32, #tpu.memory_space<hbm>>
    tpu.enqueue_indirect_dma source(%dma_start3A_207 : memref<1000000x64xf32, #tpu.memory_space<hbm>>) target(%dma_start3A_201 : memref<128x64xf32, #tpu.memory_space<vmem>>) offsets(%dma_start3A_204 : memref<128xi32, #tpu.memory_space<vmem>>) semaphore(%arg13 : memref<!tpu.dma_semaphore, #tpu.memory_space<semaphore_mem>>)
    %dma_start3A_208 = arith.constant 1 : i32
    %dma_start3A_209 = arith.constant 128 : i32
    %dma_start3A_210 = arith.constant 0 : i32
    %dma_start3A_211 = tpu.memref_slice %arg12[%dma_start3A_209, %dma_start3A_210] : memref<512x64xf32, #tpu.memory_space<vmem>> -> memref<128x64xf32, #tpu.memory_space<vmem>>
    %dma_start3A_212 = arith.constant 0 : i32
    %dma_start3A_213 = tpu.memref_slice %arg11[%dma_start3A_208, %dma_start3A_212] : memref<4x128xi32, #tpu.memory_space<vmem>> -> memref<1x128xi32, #tpu.memory_space<vmem>>
    %dma_start3A_214 = tpu.memref_squeeze %dma_start3A_213 : memref<1x128xi32, #tpu.memory_space<vmem>> -> memref<128xi32, #tpu.memory_space<vmem>>
    %dma_start3A_215 = arith.constant 0 : i32
    %dma_start3A_216 = arith.constant 0 : i32
    %dma_start3A_217 = tpu.memref_slice %arg8[%dma_start3A_215, %dma_start3A_216] : memref<1000000x64xf32, #tpu.memory_space<hbm>> -> memref<1000000x64xf32, #tpu.memory_space<hbm>>
    tpu.enqueue_indirect_dma source(%dma_start3A_217 : memref<1000000x64xf32, #tpu.memory_space<hbm>>) target(%dma_start3A_211 : memref<128x64xf32, #tpu.memory_space<vmem>>) offsets(%dma_start3A_214 : memref<128xi32, #tpu.memory_space<vmem>>) semaphore(%arg13 : memref<!tpu.dma_semaphore, #tpu.memory_space<semaphore_mem>>)
    %dma_start3A_218 = arith.constant 2 : i32
    %dma_start3A_219 = arith.constant 256 : i32
    %dma_start3A_220 = arith.constant 0 : i32
    %dma_start3A_221 = tpu.memref_slice %arg12[%dma_start3A_219, %dma_start3A_220] : memref<512x64xf32, #tpu.memory_space<vmem>> -> memref<128x64xf32, #tpu.memory_space<vmem>>
    %dma_start3A_222 = arith.constant 0 : i32
    %dma_start3A_223 = tpu.memref_slice %arg11[%dma_start3A_218, %dma_start3A_222] : memref<4x128xi32, #tpu.memory_space<vmem>> -> memref<1x128xi32, #tpu.memory_space<vmem>>
    %dma_start3A_224 = tpu.memref_squeeze %dma_start3A_223 : memref<1x128xi32, #tpu.memory_space<vmem>> -> memref<128xi32, #tpu.memory_space<vmem>>
    %dma_start3A_225 = arith.constant 0 : i32
    %dma_start3A_226 = arith.constant 0 : i32
    %dma_start3A_227 = tpu.memref_slice %arg8[%dma_start3A_225, %dma_start3A_226] : memref<1000000x64xf32, #tpu.memory_space<hbm>> -> memref<1000000x64xf32, #tpu.memory_space<hbm>>
    tpu.enqueue_indirect_dma source(%dma_start3A_227 : memref<1000000x64xf32, #tpu.memory_space<hbm>>) target(%dma_start3A_221 : memref<128x64xf32, #tpu.memory_space<vmem>>) offsets(%dma_start3A_224 : memref<128xi32, #tpu.memory_space<vmem>>) semaphore(%arg13 : memref<!tpu.dma_semaphore, #tpu.memory_space<semaphore_mem>>)
    %dma_start3A_228 = arith.constant 3 : i32
    %dma_start3A_229 = arith.constant 384 : i32
    %dma_start3A_230 = arith.constant 0 : i32
    %dma_start3A_231 = tpu.memref_slice %arg12[%dma_start3A_229, %dma_start3A_230] : memref<512x64xf32, #tpu.memory_space<vmem>> -> memref<128x64xf32, #tpu.memory_space<vmem>>
    %dma_start3A_232 = arith.constant 0 : i32
    %dma_start3A_233 = tpu.memref_slice %arg11[%dma_start3A_228, %dma_start3A_232] : memref<4x128xi32, #tpu.memory_space<vmem>> -> memref<1x128xi32, #tpu.memory_space<vmem>>
    %dma_start3A_234 = tpu.memref_squeeze %dma_start3A_233 : memref<1x128xi32, #tpu.memory_space<vmem>> -> memref<128xi32, #tpu.memory_space<vmem>>
    %dma_start3A_235 = arith.constant 0 : i32
    %dma_start3A_236 = arith.constant 0 : i32
    %dma_start3A_237 = tpu.memref_slice %arg8[%dma_start3A_235, %dma_start3A_236] : memref<1000000x64xf32, #tpu.memory_space<hbm>> -> memref<1000000x64xf32, #tpu.memory_space<hbm>>
    tpu.enqueue_indirect_dma source(%dma_start3A_237 : memref<1000000x64xf32, #tpu.memory_space<hbm>>) target(%dma_start3A_231 : memref<128x64xf32, #tpu.memory_space<vmem>>) offsets(%dma_start3A_234 : memref<128xi32, #tpu.memory_space<vmem>>) semaphore(%arg13 : memref<!tpu.dma_semaphore, #tpu.memory_space<semaphore_mem>>)
    %dma_wait3A_238 = arith.constant 0 : i32
    %dma_wait3A_239 = arith.constant 0 : i32
    %dma_wait3A_240 = arith.constant 0 : i32
    %dma_wait3A_241 = tpu.memref_slice %arg12[%dma_wait3A_239, %dma_wait3A_240] : memref<512x64xf32, #tpu.memory_space<vmem>> -> memref<128x64xf32, #tpu.memory_space<vmem>>
    %dma_wait3A_242 = arith.constant 0 : i32
    %dma_wait3A_243 = tpu.memref_slice %arg11[%dma_wait3A_238, %dma_wait3A_242] : memref<4x128xi32, #tpu.memory_space<vmem>> -> memref<1x128xi32, #tpu.memory_space<vmem>>
    %dma_wait3A_244 = tpu.memref_squeeze %dma_wait3A_243 : memref<1x128xi32, #tpu.memory_space<vmem>> -> memref<128xi32, #tpu.memory_space<vmem>>
    %dma_wait3A_245 = arith.constant 0 : i32
    %dma_wait3A_246 = arith.constant 0 : i32
    %dma_wait3A_247 = tpu.memref_slice %arg8[%dma_wait3A_245, %dma_wait3A_246] : memref<1000000x64xf32, #tpu.memory_space<hbm>> -> memref<1000000x64xf32, #tpu.memory_space<hbm>>
    tpu.wait_indirect_dma semaphore(%arg13 : memref<!tpu.dma_semaphore, #tpu.memory_space<semaphore_mem>>) src(%dma_wait3A_247 : memref<1000000x64xf32, #tpu.memory_space<hbm>>) dst(%dma_wait3A_241 : memref<128x64xf32, #tpu.memory_space<vmem>>)
    %dma_wait3A_248 = arith.constant 1 : i32
    %dma_wait3A_249 = arith.constant 128 : i32
    %dma_wait3A_250 = arith.constant 0 : i32
    %dma_wait3A_251 = tpu.memref_slice %arg12[%dma_wait3A_249, %dma_wait3A_250] : memref<512x64xf32, #tpu.memory_space<vmem>> -> memref<128x64xf32, #tpu.memory_space<vmem>>
    %dma_wait3A_252 = arith.constant 0 : i32
    %dma_wait3A_253 = tpu.memref_slice %arg11[%dma_wait3A_248, %dma_wait3A_252] : memref<4x128xi32, #tpu.memory_space<vmem>> -> memref<1x128xi32, #tpu.memory_space<vmem>>
    %dma_wait3A_254 = tpu.memref_squeeze %dma_wait3A_253 : memref<1x128xi32, #tpu.memory_space<vmem>> -> memref<128xi32, #tpu.memory_space<vmem>>
    %dma_wait3A_255 = arith.constant 0 : i32
    %dma_wait3A_256 = arith.constant 0 : i32
    %dma_wait3A_257 = tpu.memref_slice %arg8[%dma_wait3A_255, %dma_wait3A_256] : memref<1000000x64xf32, #tpu.memory_space<hbm>> -> memref<1000000x64xf32, #tpu.memory_space<hbm>>
    tpu.wait_indirect_dma semaphore(%arg13 : memref<!tpu.dma_semaphore, #tpu.memory_space<semaphore_mem>>) src(%dma_wait3A_257 : memref<1000000x64xf32, #tpu.memory_space<hbm>>) dst(%dma_wait3A_251 : memref<128x64xf32, #tpu.memory_space<vmem>>)
    %dma_wait3A_258 = arith.constant 2 : i32
    %dma_wait3A_259 = arith.constant 256 : i32
    %dma_wait3A_260 = arith.constant 0 : i32
    %dma_wait3A_261 = tpu.memref_slice %arg12[%dma_wait3A_259, %dma_wait3A_260] : memref<512x64xf32, #tpu.memory_space<vmem>> -> memref<128x64xf32, #tpu.memory_space<vmem>>
    %dma_wait3A_262 = arith.constant 0 : i32
    %dma_wait3A_263 = tpu.memref_slice %arg11[%dma_wait3A_258, %dma_wait3A_262] : memref<4x128xi32, #tpu.memory_space<vmem>> -> memref<1x128xi32, #tpu.memory_space<vmem>>
    %dma_wait3A_264 = tpu.memref_squeeze %dma_wait3A_263 : memref<1x128xi32, #tpu.memory_space<vmem>> -> memref<128xi32, #tpu.memory_space<vmem>>
    %dma_wait3A_265 = arith.constant 0 : i32
    %dma_wait3A_266 = arith.constant 0 : i32
    %dma_wait3A_267 = tpu.memref_slice %arg8[%dma_wait3A_265, %dma_wait3A_266] : memref<1000000x64xf32, #tpu.memory_space<hbm>> -> memref<1000000x64xf32, #tpu.memory_space<hbm>>
    tpu.wait_indirect_dma semaphore(%arg13 : memref<!tpu.dma_semaphore, #tpu.memory_space<semaphore_mem>>) src(%dma_wait3A_267 : memref<1000000x64xf32, #tpu.memory_space<hbm>>) dst(%dma_wait3A_261 : memref<128x64xf32, #tpu.memory_space<vmem>>)
    %dma_wait3A_268 = arith.constant 3 : i32
    %dma_wait3A_269 = arith.constant 384 : i32
    %dma_wait3A_270 = arith.constant 0 : i32
    %dma_wait3A_271 = tpu.memref_slice %arg12[%dma_wait3A_269, %dma_wait3A_270] : memref<512x64xf32, #tpu.memory_space<vmem>> -> memref<128x64xf32, #tpu.memory_space<vmem>>
    %dma_wait3A_272 = arith.constant 0 : i32
    %dma_wait3A_273 = tpu.memref_slice %arg11[%dma_wait3A_268, %dma_wait3A_272] : memref<4x128xi32, #tpu.memory_space<vmem>> -> memref<1x128xi32, #tpu.memory_space<vmem>>
    %dma_wait3A_274 = tpu.memref_squeeze %dma_wait3A_273 : memref<1x128xi32, #tpu.memory_space<vmem>> -> memref<128xi32, #tpu.memory_space<vmem>>
    %dma_wait3A_275 = arith.constant 0 : i32
    %dma_wait3A_276 = arith.constant 0 : i32
    %dma_wait3A_277 = tpu.memref_slice %arg8[%dma_wait3A_275, %dma_wait3A_276] : memref<1000000x64xf32, #tpu.memory_space<hbm>> -> memref<1000000x64xf32, #tpu.memory_space<hbm>>
    tpu.wait_indirect_dma semaphore(%arg13 : memref<!tpu.dma_semaphore, #tpu.memory_space<semaphore_mem>>) src(%dma_wait3A_277 : memref<1000000x64xf32, #tpu.memory_space<hbm>>) dst(%dma_wait3A_271 : memref<128x64xf32, #tpu.memory_space<vmem>>)
    %run_scoped3A_278 = arith.constant 2 : i32
    "tpu.region"() ({
      %run_scoped3A_372 = tpu.sem_alloc : memref<!tpu.dma_semaphore, #tpu.memory_space<semaphore_mem>>
      %dma_start3A_373 = arith.constant 0 : i32
      %dma_start3A_374 = tpu.memref_slice %arg10[%run_scoped3A_278, %mul3A_2, %dma_start3A_373] : memref<4x16384x64xf32, #tpu.memory_space<hbm>> -> memref<1x512x64xf32, #tpu.memory_space<hbm>>
      %dma_start3A_375 = tpu.memref_squeeze %dma_start3A_374 : memref<1x512x64xf32, #tpu.memory_space<hbm>> -> memref<512x64xf32, #tpu.memory_space<hbm>>
      %dma_start3A_376 = arith.constant 0 : i32
      %dma_start3A_377 = tpu.memref_slice %arg10[%run_scoped3A_278, %mul3A_2, %dma_start3A_376] : memref<4x16384x64xf32, #tpu.memory_space<hbm>> -> memref<1x512x64xf32, #tpu.memory_space<hbm>>
      %dma_start3A_378 = tpu.memref_squeeze %dma_start3A_377 : memref<1x512x64xf32, #tpu.memory_space<hbm>> -> memref<512x64xf32, #tpu.memory_space<hbm>>
      tpu.enqueue_dma source(%arg12 : memref<512x64xf32, #tpu.memory_space<vmem>>) target(%dma_start3A_378 : memref<512x64xf32, #tpu.memory_space<hbm>>) target_semaphore(%run_scoped3A_372 : memref<!tpu.dma_semaphore, #tpu.memory_space<semaphore_mem>>)
      %dma_wait3A_379 = arith.constant 0 : i32
      %dma_wait3A_380 = tpu.memref_slice %arg10[%run_scoped3A_278, %mul3A_2, %dma_wait3A_379] : memref<4x16384x64xf32, #tpu.memory_space<hbm>> -> memref<1x512x64xf32, #tpu.memory_space<hbm>>
      %dma_wait3A_381 = tpu.memref_squeeze %dma_wait3A_380 : memref<1x512x64xf32, #tpu.memory_space<hbm>> -> memref<512x64xf32, #tpu.memory_space<hbm>>
      %dma_wait3A_382 = arith.constant 0 : i32
      %dma_wait3A_383 = tpu.memref_slice %arg10[%run_scoped3A_278, %mul3A_2, %dma_wait3A_382] : memref<4x16384x64xf32, #tpu.memory_space<hbm>> -> memref<1x512x64xf32, #tpu.memory_space<hbm>>
      %dma_wait3A_384 = tpu.memref_squeeze %dma_wait3A_383 : memref<1x512x64xf32, #tpu.memory_space<hbm>> -> memref<512x64xf32, #tpu.memory_space<hbm>>
      tpu.wait_dma2 semaphore(%run_scoped3A_372 : memref<!tpu.dma_semaphore, #tpu.memory_space<semaphore_mem>>) src(%arg12 : memref<512x64xf32, #tpu.memory_space<vmem>>) dst(%dma_wait3A_384 : memref<512x64xf32, #tpu.memory_space<hbm>>)
      tpu.yield
    }) : () -> ()
    %add3A_279 = arith.constant 0 : i32
    %add3A_280 = arith.addi %mul3A_2, %add3A_279 : i32
    %run_scoped3A_281 = arith.constant 0 : i32
    "tpu.region"() ({
      %run_scoped3A_372 = tpu.sem_alloc : memref<!tpu.dma_semaphore, #tpu.memory_space<semaphore_mem>>
      %dma_start3A_373 = arith.constant 0 : i32
      %dma_start3A_374 = tpu.memref_slice %arg11[%run_scoped3A_281, %dma_start3A_373] : memref<4x128xi32, #tpu.memory_space<vmem>> -> memref<1x128xi32, #tpu.memory_space<vmem>>
      %dma_start3A_375 = tpu.memref_squeeze %dma_start3A_374 : memref<1x128xi32, #tpu.memory_space<vmem>> -> memref<128xi32, #tpu.memory_space<vmem>>
      %dma_start3A_376 = tpu.memref_slice %arg5[%add3A_280] : memref<16384xi32, #tpu.memory_space<hbm>> -> memref<128xi32, #tpu.memory_space<hbm>>
      %dma_start3A_377 = arith.constant 0 : i32
      %dma_start3A_378 = tpu.memref_slice %arg11[%run_scoped3A_281, %dma_start3A_377] : memref<4x128xi32, #tpu.memory_space<vmem>> -> memref<1x128xi32, #tpu.memory_space<vmem>>
      %dma_start3A_379 = tpu.memref_squeeze %dma_start3A_378 : memref<1x128xi32, #tpu.memory_space<vmem>> -> memref<128xi32, #tpu.memory_space<vmem>>
      %dma_start3A_380 = tpu.memref_slice %arg5[%add3A_280] : memref<16384xi32, #tpu.memory_space<hbm>> -> memref<128xi32, #tpu.memory_space<hbm>>
      tpu.enqueue_dma source(%dma_start3A_380 : memref<128xi32, #tpu.memory_space<hbm>>) target(%dma_start3A_379 : memref<128xi32, #tpu.memory_space<vmem>>) target_semaphore(%run_scoped3A_372 : memref<!tpu.dma_semaphore, #tpu.memory_space<semaphore_mem>>)
      %dma_wait3A_381 = arith.constant 0 : i32
      %dma_wait3A_382 = tpu.memref_slice %arg11[%run_scoped3A_281, %dma_wait3A_381] : memref<4x128xi32, #tpu.memory_space<vmem>> -> memref<1x128xi32, #tpu.memory_space<vmem>>
      %dma_wait3A_383 = tpu.memref_squeeze %dma_wait3A_382 : memref<1x128xi32, #tpu.memory_space<vmem>> -> memref<128xi32, #tpu.memory_space<vmem>>
      %dma_wait3A_384 = tpu.memref_slice %arg5[%add3A_280] : memref<16384xi32, #tpu.memory_space<hbm>> -> memref<128xi32, #tpu.memory_space<hbm>>
      %dma_wait3A_385 = arith.constant 0 : i32
      %dma_wait3A_386 = tpu.memref_slice %arg11[%run_scoped3A_281, %dma_wait3A_385] : memref<4x128xi32, #tpu.memory_space<vmem>> -> memref<1x128xi32, #tpu.memory_space<vmem>>
      %dma_wait3A_387 = tpu.memref_squeeze %dma_wait3A_386 : memref<1x128xi32, #tpu.memory_space<vmem>> -> memref<128xi32, #tpu.memory_space<vmem>>
      %dma_wait3A_388 = tpu.memref_slice %arg5[%add3A_280] : memref<16384xi32, #tpu.memory_space<hbm>> -> memref<128xi32, #tpu.memory_space<hbm>>
      tpu.wait_dma2 semaphore(%run_scoped3A_372 : memref<!tpu.dma_semaphore, #tpu.memory_space<semaphore_mem>>) src(%dma_wait3A_388 : memref<128xi32, #tpu.memory_space<hbm>>) dst(%dma_wait3A_387 : memref<128xi32, #tpu.memory_space<vmem>>)
      tpu.yield
    }) : () -> ()
    %add3A_282 = arith.constant 128 : i32
    %add3A_283 = arith.addi %mul3A_2, %add3A_282 : i32
    %run_scoped3A_284 = arith.constant 1 : i32
    "tpu.region"() ({
      %run_scoped3A_372 = tpu.sem_alloc : memref<!tpu.dma_semaphore, #tpu.memory_space<semaphore_mem>>
      %dma_start3A_373 = arith.constant 0 : i32
      %dma_start3A_374 = tpu.memref_slice %arg11[%run_scoped3A_284, %dma_start3A_373] : memref<4x128xi32, #tpu.memory_space<vmem>> -> memref<1x128xi32, #tpu.memory_space<vmem>>
      %dma_start3A_375 = tpu.memref_squeeze %dma_start3A_374 : memref<1x128xi32, #tpu.memory_space<vmem>> -> memref<128xi32, #tpu.memory_space<vmem>>
      %dma_start3A_376 = tpu.memref_slice %arg5[%add3A_283] : memref<16384xi32, #tpu.memory_space<hbm>> -> memref<128xi32, #tpu.memory_space<hbm>>
      %dma_start3A_377 = arith.constant 0 : i32
      %dma_start3A_378 = tpu.memref_slice %arg11[%run_scoped3A_284, %dma_start3A_377] : memref<4x128xi32, #tpu.memory_space<vmem>> -> memref<1x128xi32, #tpu.memory_space<vmem>>
      %dma_start3A_379 = tpu.memref_squeeze %dma_start3A_378 : memref<1x128xi32, #tpu.memory_space<vmem>> -> memref<128xi32, #tpu.memory_space<vmem>>
      %dma_start3A_380 = tpu.memref_slice %arg5[%add3A_283] : memref<16384xi32, #tpu.memory_space<hbm>> -> memref<128xi32, #tpu.memory_space<hbm>>
      tpu.enqueue_dma source(%dma_start3A_380 : memref<128xi32, #tpu.memory_space<hbm>>) target(%dma_start3A_379 : memref<128xi32, #tpu.memory_space<vmem>>) target_semaphore(%run_scoped3A_372 : memref<!tpu.dma_semaphore, #tpu.memory_space<semaphore_mem>>)
      %dma_wait3A_381 = arith.constant 0 : i32
      %dma_wait3A_382 = tpu.memref_slice %arg11[%run_scoped3A_284, %dma_wait3A_381] : memref<4x128xi32, #tpu.memory_space<vmem>> -> memref<1x128xi32, #tpu.memory_space<vmem>>
      %dma_wait3A_383 = tpu.memref_squeeze %dma_wait3A_382 : memref<1x128xi32, #tpu.memory_space<vmem>> -> memref<128xi32, #tpu.memory_space<vmem>>
      %dma_wait3A_384 = tpu.memref_slice %arg5[%add3A_283] : memref<16384xi32, #tpu.memory_space<hbm>> -> memref<128xi32, #tpu.memory_space<hbm>>
      %dma_wait3A_385 = arith.constant 0 : i32
      %dma_wait3A_386 = tpu.memref_slice %arg11[%run_scoped3A_284, %dma_wait3A_385] : memref<4x128xi32, #tpu.memory_space<vmem>> -> memref<1x128xi32, #tpu.memory_space<vmem>>
      %dma_wait3A_387 = tpu.memref_squeeze %dma_wait3A_386 : memref<1x128xi32, #tpu.memory_space<vmem>> -> memref<128xi32, #tpu.memory_space<vmem>>
      %dma_wait3A_388 = tpu.memref_slice %arg5[%add3A_283] : memref<16384xi32, #tpu.memory_space<hbm>> -> memref<128xi32, #tpu.memory_space<hbm>>
      tpu.wait_dma2 semaphore(%run_scoped3A_372 : memref<!tpu.dma_semaphore, #tpu.memory_space<semaphore_mem>>) src(%dma_wait3A_388 : memref<128xi32, #tpu.memory_space<hbm>>) dst(%dma_wait3A_387 : memref<128xi32, #tpu.memory_space<vmem>>)
      tpu.yield
    }) : () -> ()
    %add3A_285 = arith.constant 256 : i32
    %add3A_286 = arith.addi %mul3A_2, %add3A_285 : i32
    %run_scoped3A_287 = arith.constant 2 : i32
    "tpu.region"() ({
      %run_scoped3A_372 = tpu.sem_alloc : memref<!tpu.dma_semaphore, #tpu.memory_space<semaphore_mem>>
      %dma_start3A_373 = arith.constant 0 : i32
      %dma_start3A_374 = tpu.memref_slice %arg11[%run_scoped3A_287, %dma_start3A_373] : memref<4x128xi32, #tpu.memory_space<vmem>> -> memref<1x128xi32, #tpu.memory_space<vmem>>
      %dma_start3A_375 = tpu.memref_squeeze %dma_start3A_374 : memref<1x128xi32, #tpu.memory_space<vmem>> -> memref<128xi32, #tpu.memory_space<vmem>>
      %dma_start3A_376 = tpu.memref_slice %arg5[%add3A_286] : memref<16384xi32, #tpu.memory_space<hbm>> -> memref<128xi32, #tpu.memory_space<hbm>>
      %dma_start3A_377 = arith.constant 0 : i32
      %dma_start3A_378 = tpu.memref_slice %arg11[%run_scoped3A_287, %dma_start3A_377] : memref<4x128xi32, #tpu.memory_space<vmem>> -> memref<1x128xi32, #tpu.memory_space<vmem>>
      %dma_start3A_379 = tpu.memref_squeeze %dma_start3A_378 : memref<1x128xi32, #tpu.memory_space<vmem>> -> memref<128xi32, #tpu.memory_space<vmem>>
      %dma_start3A_380 = tpu.memref_slice %arg5[%add3A_286] : memref<16384xi32, #tpu.memory_space<hbm>> -> memref<128xi32, #tpu.memory_space<hbm>>
      tpu.enqueue_dma source(%dma_start3A_380 : memref<128xi32, #tpu.memory_space<hbm>>) target(%dma_start3A_379 : memref<128xi32, #tpu.memory_space<vmem>>) target_semaphore(%run_scoped3A_372 : memref<!tpu.dma_semaphore, #tpu.memory_space<semaphore_mem>>)
      %dma_wait3A_381 = arith.constant 0 : i32
      %dma_wait3A_382 = tpu.memref_slice %arg11[%run_scoped3A_287, %dma_wait3A_381] : memref<4x128xi32, #tpu.memory_space<vmem>> -> memref<1x128xi32, #tpu.memory_space<vmem>>
      %dma_wait3A_383 = tpu.memref_squeeze %dma_wait3A_382 : memref<1x128xi32, #tpu.memory_space<vmem>> -> memref<128xi32, #tpu.memory_space<vmem>>
      %dma_wait3A_384 = tpu.memref_slice %arg5[%add3A_286] : memref<16384xi32, #tpu.memory_space<hbm>> -> memref<128xi32, #tpu.memory_space<hbm>>
      %dma_wait3A_385 = arith.constant 0 : i32
      %dma_wait3A_386 = tpu.memref_slice %arg11[%run_scoped3A_287, %dma_wait3A_385] : memref<4x128xi32, #tpu.memory_space<vmem>> -> memref<1x128xi32, #tpu.memory_space<vmem>>
      %dma_wait3A_387 = tpu.memref_squeeze %dma_wait3A_386 : memref<1x128xi32, #tpu.memory_space<vmem>> -> memref<128xi32, #tpu.memory_space<vmem>>
      %dma_wait3A_388 = tpu.memref_slice %arg5[%add3A_286] : memref<16384xi32, #tpu.memory_space<hbm>> -> memref<128xi32, #tpu.memory_space<hbm>>
      tpu.wait_dma2 semaphore(%run_scoped3A_372 : memref<!tpu.dma_semaphore, #tpu.memory_space<semaphore_mem>>) src(%dma_wait3A_388 : memref<128xi32, #tpu.memory_space<hbm>>) dst(%dma_wait3A_387 : memref<128xi32, #tpu.memory_space<vmem>>)
      tpu.yield
    }) : () -> ()
    %add3A_288 = arith.constant 384 : i32
    %add3A_289 = arith.addi %mul3A_2, %add3A_288 : i32
    %run_scoped3A_290 = arith.constant 3 : i32
    "tpu.region"() ({
      %run_scoped3A_372 = tpu.sem_alloc : memref<!tpu.dma_semaphore, #tpu.memory_space<semaphore_mem>>
      %dma_start3A_373 = arith.constant 0 : i32
      %dma_start3A_374 = tpu.memref_slice %arg11[%run_scoped3A_290, %dma_start3A_373] : memref<4x128xi32, #tpu.memory_space<vmem>> -> memref<1x128xi32, #tpu.memory_space<vmem>>
      %dma_start3A_375 = tpu.memref_squeeze %dma_start3A_374 : memref<1x128xi32, #tpu.memory_space<vmem>> -> memref<128xi32, #tpu.memory_space<vmem>>
      %dma_start3A_376 = tpu.memref_slice %arg5[%add3A_289] : memref<16384xi32, #tpu.memory_space<hbm>> -> memref<128xi32, #tpu.memory_space<hbm>>
      %dma_start3A_377 = arith.constant 0 : i32
      %dma_start3A_378 = tpu.memref_slice %arg11[%run_scoped3A_290, %dma_start3A_377] : memref<4x128xi32, #tpu.memory_space<vmem>> -> memref<1x128xi32, #tpu.memory_space<vmem>>
      %dma_start3A_379 = tpu.memref_squeeze %dma_start3A_378 : memref<1x128xi32, #tpu.memory_space<vmem>> -> memref<128xi32, #tpu.memory_space<vmem>>
      %dma_start3A_380 = tpu.memref_slice %arg5[%add3A_289] : memref<16384xi32, #tpu.memory_space<hbm>> -> memref<128xi32, #tpu.memory_space<hbm>>
      tpu.enqueue_dma source(%dma_start3A_380 : memref<128xi32, #tpu.memory_space<hbm>>) target(%dma_start3A_379 : memref<128xi32, #tpu.memory_space<vmem>>) target_semaphore(%run_scoped3A_372 : memref<!tpu.dma_semaphore, #tpu.memory_space<semaphore_mem>>)
      %dma_wait3A_381 = arith.constant 0 : i32
      %dma_wait3A_382 = tpu.memref_slice %arg11[%run_scoped3A_290, %dma_wait3A_381] : memref<4x128xi32, #tpu.memory_space<vmem>> -> memref<1x128xi32, #tpu.memory_space<vmem>>
      %dma_wait3A_383 = tpu.memref_squeeze %dma_wait3A_382 : memref<1x128xi32, #tpu.memory_space<vmem>> -> memref<128xi32, #tpu.memory_space<vmem>>
      %dma_wait3A_384 = tpu.memref_slice %arg5[%add3A_289] : memref<16384xi32, #tpu.memory_space<hbm>> -> memref<128xi32, #tpu.memory_space<hbm>>
      %dma_wait3A_385 = arith.constant 0 : i32
      %dma_wait3A_386 = tpu.memref_slice %arg11[%run_scoped3A_290, %dma_wait3A_385] : memref<4x128xi32, #tpu.memory_space<vmem>> -> memref<1x128xi32, #tpu.memory_space<vmem>>
      %dma_wait3A_387 = tpu.memref_squeeze %dma_wait3A_386 : memref<1x128xi32, #tpu.memory_space<vmem>> -> memref<128xi32, #tpu.memory_space<vmem>>
      %dma_wait3A_388 = tpu.memref_slice %arg5[%add3A_289] : memref<16384xi32, #tpu.memory_space<hbm>> -> memref<128xi32, #tpu.memory_space<hbm>>
      tpu.wait_dma2 semaphore(%run_scoped3A_372 : memref<!tpu.dma_semaphore, #tpu.memory_space<semaphore_mem>>) src(%dma_wait3A_388 : memref<128xi32, #tpu.memory_space<hbm>>) dst(%dma_wait3A_387 : memref<128xi32, #tpu.memory_space<vmem>>)
      tpu.yield
    }) : () -> ()
    %dma_start3A_291 = arith.constant 0 : i32
    %dma_start3A_292 = arith.constant 0 : i32
    %dma_start3A_293 = arith.constant 0 : i32
    %dma_start3A_294 = tpu.memref_slice %arg12[%dma_start3A_292, %dma_start3A_293] : memref<512x64xf32, #tpu.memory_space<vmem>> -> memref<128x64xf32, #tpu.memory_space<vmem>>
    %dma_start3A_295 = arith.constant 0 : i32
    %dma_start3A_296 = tpu.memref_slice %arg11[%dma_start3A_291, %dma_start3A_295] : memref<4x128xi32, #tpu.memory_space<vmem>> -> memref<1x128xi32, #tpu.memory_space<vmem>>
    %dma_start3A_297 = tpu.memref_squeeze %dma_start3A_296 : memref<1x128xi32, #tpu.memory_space<vmem>> -> memref<128xi32, #tpu.memory_space<vmem>>
    %dma_start3A_298 = arith.constant 0 : i32
    %dma_start3A_299 = arith.constant 0 : i32
    %dma_start3A_300 = tpu.memref_slice %arg9[%dma_start3A_298, %dma_start3A_299] : memref<1000000x64xf32, #tpu.memory_space<hbm>> -> memref<1000000x64xf32, #tpu.memory_space<hbm>>
    tpu.enqueue_indirect_dma source(%dma_start3A_300 : memref<1000000x64xf32, #tpu.memory_space<hbm>>) target(%dma_start3A_294 : memref<128x64xf32, #tpu.memory_space<vmem>>) offsets(%dma_start3A_297 : memref<128xi32, #tpu.memory_space<vmem>>) semaphore(%arg13 : memref<!tpu.dma_semaphore, #tpu.memory_space<semaphore_mem>>)
    %dma_start3A_301 = arith.constant 1 : i32
    %dma_start3A_302 = arith.constant 128 : i32
    %dma_start3A_303 = arith.constant 0 : i32
    %dma_start3A_304 = tpu.memref_slice %arg12[%dma_start3A_302, %dma_start3A_303] : memref<512x64xf32, #tpu.memory_space<vmem>> -> memref<128x64xf32, #tpu.memory_space<vmem>>
    %dma_start3A_305 = arith.constant 0 : i32
    %dma_start3A_306 = tpu.memref_slice %arg11[%dma_start3A_301, %dma_start3A_305] : memref<4x128xi32, #tpu.memory_space<vmem>> -> memref<1x128xi32, #tpu.memory_space<vmem>>
    %dma_start3A_307 = tpu.memref_squeeze %dma_start3A_306 : memref<1x128xi32, #tpu.memory_space<vmem>> -> memref<128xi32, #tpu.memory_space<vmem>>
    %dma_start3A_308 = arith.constant 0 : i32
    %dma_start3A_309 = arith.constant 0 : i32
    %dma_start3A_310 = tpu.memref_slice %arg9[%dma_start3A_308, %dma_start3A_309] : memref<1000000x64xf32, #tpu.memory_space<hbm>> -> memref<1000000x64xf32, #tpu.memory_space<hbm>>
    tpu.enqueue_indirect_dma source(%dma_start3A_310 : memref<1000000x64xf32, #tpu.memory_space<hbm>>) target(%dma_start3A_304 : memref<128x64xf32, #tpu.memory_space<vmem>>) offsets(%dma_start3A_307 : memref<128xi32, #tpu.memory_space<vmem>>) semaphore(%arg13 : memref<!tpu.dma_semaphore, #tpu.memory_space<semaphore_mem>>)
    %dma_start3A_311 = arith.constant 2 : i32
    %dma_start3A_312 = arith.constant 256 : i32
    %dma_start3A_313 = arith.constant 0 : i32
    %dma_start3A_314 = tpu.memref_slice %arg12[%dma_start3A_312, %dma_start3A_313] : memref<512x64xf32, #tpu.memory_space<vmem>> -> memref<128x64xf32, #tpu.memory_space<vmem>>
    %dma_start3A_315 = arith.constant 0 : i32
    %dma_start3A_316 = tpu.memref_slice %arg11[%dma_start3A_311, %dma_start3A_315] : memref<4x128xi32, #tpu.memory_space<vmem>> -> memref<1x128xi32, #tpu.memory_space<vmem>>
    %dma_start3A_317 = tpu.memref_squeeze %dma_start3A_316 : memref<1x128xi32, #tpu.memory_space<vmem>> -> memref<128xi32, #tpu.memory_space<vmem>>
    %dma_start3A_318 = arith.constant 0 : i32
    %dma_start3A_319 = arith.constant 0 : i32
    %dma_start3A_320 = tpu.memref_slice %arg9[%dma_start3A_318, %dma_start3A_319] : memref<1000000x64xf32, #tpu.memory_space<hbm>> -> memref<1000000x64xf32, #tpu.memory_space<hbm>>
    tpu.enqueue_indirect_dma source(%dma_start3A_320 : memref<1000000x64xf32, #tpu.memory_space<hbm>>) target(%dma_start3A_314 : memref<128x64xf32, #tpu.memory_space<vmem>>) offsets(%dma_start3A_317 : memref<128xi32, #tpu.memory_space<vmem>>) semaphore(%arg13 : memref<!tpu.dma_semaphore, #tpu.memory_space<semaphore_mem>>)
    %dma_start3A_321 = arith.constant 3 : i32
    %dma_start3A_322 = arith.constant 384 : i32
    %dma_start3A_323 = arith.constant 0 : i32
    %dma_start3A_324 = tpu.memref_slice %arg12[%dma_start3A_322, %dma_start3A_323] : memref<512x64xf32, #tpu.memory_space<vmem>> -> memref<128x64xf32, #tpu.memory_space<vmem>>
    %dma_start3A_325 = arith.constant 0 : i32
    %dma_start3A_326 = tpu.memref_slice %arg11[%dma_start3A_321, %dma_start3A_325] : memref<4x128xi32, #tpu.memory_space<vmem>> -> memref<1x128xi32, #tpu.memory_space<vmem>>
    %dma_start3A_327 = tpu.memref_squeeze %dma_start3A_326 : memref<1x128xi32, #tpu.memory_space<vmem>> -> memref<128xi32, #tpu.memory_space<vmem>>
    %dma_start3A_328 = arith.constant 0 : i32
    %dma_start3A_329 = arith.constant 0 : i32
    %dma_start3A_330 = tpu.memref_slice %arg9[%dma_start3A_328, %dma_start3A_329] : memref<1000000x64xf32, #tpu.memory_space<hbm>> -> memref<1000000x64xf32, #tpu.memory_space<hbm>>
    tpu.enqueue_indirect_dma source(%dma_start3A_330 : memref<1000000x64xf32, #tpu.memory_space<hbm>>) target(%dma_start3A_324 : memref<128x64xf32, #tpu.memory_space<vmem>>) offsets(%dma_start3A_327 : memref<128xi32, #tpu.memory_space<vmem>>) semaphore(%arg13 : memref<!tpu.dma_semaphore, #tpu.memory_space<semaphore_mem>>)
    %dma_wait3A_331 = arith.constant 0 : i32
    %dma_wait3A_332 = arith.constant 0 : i32
    %dma_wait3A_333 = arith.constant 0 : i32
    %dma_wait3A_334 = tpu.memref_slice %arg12[%dma_wait3A_332, %dma_wait3A_333] : memref<512x64xf32, #tpu.memory_space<vmem>> -> memref<128x64xf32, #tpu.memory_space<vmem>>
    %dma_wait3A_335 = arith.constant 0 : i32
    %dma_wait3A_336 = tpu.memref_slice %arg11[%dma_wait3A_331, %dma_wait3A_335] : memref<4x128xi32, #tpu.memory_space<vmem>> -> memref<1x128xi32, #tpu.memory_space<vmem>>
    %dma_wait3A_337 = tpu.memref_squeeze %dma_wait3A_336 : memref<1x128xi32, #tpu.memory_space<vmem>> -> memref<128xi32, #tpu.memory_space<vmem>>
    %dma_wait3A_338 = arith.constant 0 : i32
    %dma_wait3A_339 = arith.constant 0 : i32
    %dma_wait3A_340 = tpu.memref_slice %arg9[%dma_wait3A_338, %dma_wait3A_339] : memref<1000000x64xf32, #tpu.memory_space<hbm>> -> memref<1000000x64xf32, #tpu.memory_space<hbm>>
    tpu.wait_indirect_dma semaphore(%arg13 : memref<!tpu.dma_semaphore, #tpu.memory_space<semaphore_mem>>) src(%dma_wait3A_340 : memref<1000000x64xf32, #tpu.memory_space<hbm>>) dst(%dma_wait3A_334 : memref<128x64xf32, #tpu.memory_space<vmem>>)
    %dma_wait3A_341 = arith.constant 1 : i32
    %dma_wait3A_342 = arith.constant 128 : i32
    %dma_wait3A_343 = arith.constant 0 : i32
    %dma_wait3A_344 = tpu.memref_slice %arg12[%dma_wait3A_342, %dma_wait3A_343] : memref<512x64xf32, #tpu.memory_space<vmem>> -> memref<128x64xf32, #tpu.memory_space<vmem>>
    %dma_wait3A_345 = arith.constant 0 : i32
    %dma_wait3A_346 = tpu.memref_slice %arg11[%dma_wait3A_341, %dma_wait3A_345] : memref<4x128xi32, #tpu.memory_space<vmem>> -> memref<1x128xi32, #tpu.memory_space<vmem>>
    %dma_wait3A_347 = tpu.memref_squeeze %dma_wait3A_346 : memref<1x128xi32, #tpu.memory_space<vmem>> -> memref<128xi32, #tpu.memory_space<vmem>>
    %dma_wait3A_348 = arith.constant 0 : i32
    %dma_wait3A_349 = arith.constant 0 : i32
    %dma_wait3A_350 = tpu.memref_slice %arg9[%dma_wait3A_348, %dma_wait3A_349] : memref<1000000x64xf32, #tpu.memory_space<hbm>> -> memref<1000000x64xf32, #tpu.memory_space<hbm>>
    tpu.wait_indirect_dma semaphore(%arg13 : memref<!tpu.dma_semaphore, #tpu.memory_space<semaphore_mem>>) src(%dma_wait3A_350 : memref<1000000x64xf32, #tpu.memory_space<hbm>>) dst(%dma_wait3A_344 : memref<128x64xf32, #tpu.memory_space<vmem>>)
    %dma_wait3A_351 = arith.constant 2 : i32
    %dma_wait3A_352 = arith.constant 256 : i32
    %dma_wait3A_353 = arith.constant 0 : i32
    %dma_wait3A_354 = tpu.memref_slice %arg12[%dma_wait3A_352, %dma_wait3A_353] : memref<512x64xf32, #tpu.memory_space<vmem>> -> memref<128x64xf32, #tpu.memory_space<vmem>>
    %dma_wait3A_355 = arith.constant 0 : i32
    %dma_wait3A_356 = tpu.memref_slice %arg11[%dma_wait3A_351, %dma_wait3A_355] : memref<4x128xi32, #tpu.memory_space<vmem>> -> memref<1x128xi32, #tpu.memory_space<vmem>>
    %dma_wait3A_357 = tpu.memref_squeeze %dma_wait3A_356 : memref<1x128xi32, #tpu.memory_space<vmem>> -> memref<128xi32, #tpu.memory_space<vmem>>
    %dma_wait3A_358 = arith.constant 0 : i32
    %dma_wait3A_359 = arith.constant 0 : i32
    %dma_wait3A_360 = tpu.memref_slice %arg9[%dma_wait3A_358, %dma_wait3A_359] : memref<1000000x64xf32, #tpu.memory_space<hbm>> -> memref<1000000x64xf32, #tpu.memory_space<hbm>>
    tpu.wait_indirect_dma semaphore(%arg13 : memref<!tpu.dma_semaphore, #tpu.memory_space<semaphore_mem>>) src(%dma_wait3A_360 : memref<1000000x64xf32, #tpu.memory_space<hbm>>) dst(%dma_wait3A_354 : memref<128x64xf32, #tpu.memory_space<vmem>>)
    %dma_wait3A_361 = arith.constant 3 : i32
    %dma_wait3A_362 = arith.constant 384 : i32
    %dma_wait3A_363 = arith.constant 0 : i32
    %dma_wait3A_364 = tpu.memref_slice %arg12[%dma_wait3A_362, %dma_wait3A_363] : memref<512x64xf32, #tpu.memory_space<vmem>> -> memref<128x64xf32, #tpu.memory_space<vmem>>
    %dma_wait3A_365 = arith.constant 0 : i32
    %dma_wait3A_366 = tpu.memref_slice %arg11[%dma_wait3A_361, %dma_wait3A_365] : memref<4x128xi32, #tpu.memory_space<vmem>> -> memref<1x128xi32, #tpu.memory_space<vmem>>
    %dma_wait3A_367 = tpu.memref_squeeze %dma_wait3A_366 : memref<1x128xi32, #tpu.memory_space<vmem>> -> memref<128xi32, #tpu.memory_space<vmem>>
    %dma_wait3A_368 = arith.constant 0 : i32
    %dma_wait3A_369 = arith.constant 0 : i32
    %dma_wait3A_370 = tpu.memref_slice %arg9[%dma_wait3A_368, %dma_wait3A_369] : memref<1000000x64xf32, #tpu.memory_space<hbm>> -> memref<1000000x64xf32, #tpu.memory_space<hbm>>
    tpu.wait_indirect_dma semaphore(%arg13 : memref<!tpu.dma_semaphore, #tpu.memory_space<semaphore_mem>>) src(%dma_wait3A_370 : memref<1000000x64xf32, #tpu.memory_space<hbm>>) dst(%dma_wait3A_364 : memref<128x64xf32, #tpu.memory_space<vmem>>)
    %run_scoped3A_371 = arith.constant 3 : i32
    "tpu.region"() ({
      %run_scoped3A_372 = tpu.sem_alloc : memref<!tpu.dma_semaphore, #tpu.memory_space<semaphore_mem>>
      %dma_start3A_373 = arith.constant 0 : i32
      %dma_start3A_374 = tpu.memref_slice %arg10[%run_scoped3A_371, %mul3A_2, %dma_start3A_373] : memref<4x16384x64xf32, #tpu.memory_space<hbm>> -> memref<1x512x64xf32, #tpu.memory_space<hbm>>
      %dma_start3A_375 = tpu.memref_squeeze %dma_start3A_374 : memref<1x512x64xf32, #tpu.memory_space<hbm>> -> memref<512x64xf32, #tpu.memory_space<hbm>>
      %dma_start3A_376 = arith.constant 0 : i32
      %dma_start3A_377 = tpu.memref_slice %arg10[%run_scoped3A_371, %mul3A_2, %dma_start3A_376] : memref<4x16384x64xf32, #tpu.memory_space<hbm>> -> memref<1x512x64xf32, #tpu.memory_space<hbm>>
      %dma_start3A_378 = tpu.memref_squeeze %dma_start3A_377 : memref<1x512x64xf32, #tpu.memory_space<hbm>> -> memref<512x64xf32, #tpu.memory_space<hbm>>
      tpu.enqueue_dma source(%arg12 : memref<512x64xf32, #tpu.memory_space<vmem>>) target(%dma_start3A_378 : memref<512x64xf32, #tpu.memory_space<hbm>>) target_semaphore(%run_scoped3A_372 : memref<!tpu.dma_semaphore, #tpu.memory_space<semaphore_mem>>)
      %dma_wait3A_379 = arith.constant 0 : i32
      %dma_wait3A_380 = tpu.memref_slice %arg10[%run_scoped3A_371, %mul3A_2, %dma_wait3A_379] : memref<4x16384x64xf32, #tpu.memory_space<hbm>> -> memref<1x512x64xf32, #tpu.memory_space<hbm>>
      %dma_wait3A_381 = tpu.memref_squeeze %dma_wait3A_380 : memref<1x512x64xf32, #tpu.memory_space<hbm>> -> memref<512x64xf32, #tpu.memory_space<hbm>>
      %dma_wait3A_382 = arith.constant 0 : i32
      %dma_wait3A_383 = tpu.memref_slice %arg10[%run_scoped3A_371, %mul3A_2, %dma_wait3A_382] : memref<4x16384x64xf32, #tpu.memory_space<hbm>> -> memref<1x512x64xf32, #tpu.memory_space<hbm>>
      %dma_wait3A_384 = tpu.memref_squeeze %dma_wait3A_383 : memref<1x512x64xf32, #tpu.memory_space<hbm>> -> memref<512x64xf32, #tpu.memory_space<hbm>>
      tpu.wait_dma2 semaphore(%run_scoped3A_372 : memref<!tpu.dma_semaphore, #tpu.memory_space<semaphore_mem>>) src(%arg12 : memref<512x64xf32, #tpu.memory_space<vmem>>) dst(%dma_wait3A_384 : memref<512x64xf32, #tpu.memory_space<hbm>>)
      tpu.yield
    }) : () -> ()
    return
  }
}

module attributes {stable_mosaic.version = 14 : i64} {
  func.func @_mlp_body(%arg0: i32, %arg1: memref<4x2048x64xf32, #tpu.memory_space<vmem>>, %arg2: memref<1x256xf32, #tpu.memory_space<vmem>>, %arg3: memref<1x256xf32, #tpu.memory_space<vmem>>, %arg4: memref<256x128xf32, #tpu.memory_space<vmem>>, %arg5: memref<1x128xf32, #tpu.memory_space<vmem>>, %arg6: memref<128x64xf32, #tpu.memory_space<vmem>>, %arg7: memref<1x64xf32, #tpu.memory_space<vmem>>, %arg8: memref<1x64xf32, #tpu.memory_space<vmem>>, %arg9: memref<1x64xf32, #tpu.memory_space<vmem>>, %arg10: memref<2048x64xf32, #tpu.memory_space<vmem>>) attributes {dimension_semantics = [#tpu.dimension_semantics<arbitrary>], iteration_bounds = array<i64: 8>, scalar_prefetch = 0 : i64, scratch_operands = 0 : i64, tpu.core_type = #tpu.core_type<tc>, window_params = [{transform_indices = @transform_0, window_bounds = array<i64: 4, 2048, 64>}, {pipeline_mode = #tpu.pipeline_mode<synchronous>, transform_indices = @transform_1, window_bounds = array<i64: 1, 256>}, {pipeline_mode = #tpu.pipeline_mode<synchronous>, transform_indices = @transform_2, window_bounds = array<i64: 1, 256>}, {pipeline_mode = #tpu.pipeline_mode<synchronous>, transform_indices = @transform_3, window_bounds = array<i64: 256, 128>}, {pipeline_mode = #tpu.pipeline_mode<synchronous>, transform_indices = @transform_4, window_bounds = array<i64: 1, 128>}, {pipeline_mode = #tpu.pipeline_mode<synchronous>, transform_indices = @transform_5, window_bounds = array<i64: 128, 64>}, {pipeline_mode = #tpu.pipeline_mode<synchronous>, transform_indices = @transform_6, window_bounds = array<i64: 1, 64>}, {pipeline_mode = #tpu.pipeline_mode<synchronous>, transform_indices = @transform_7, window_bounds = array<i64: 1, 64>}, {pipeline_mode = #tpu.pipeline_mode<synchronous>, transform_indices = @transform_8, window_bounds = array<i64: 1, 64>}, {transform_indices = @transform_9, window_bounds = array<i64: 2048, 64>}]} {
    %get3A = arith.constant 0 : index
    %get3A_0 = arith.constant 0 : index
    %get3A_1 = arith.constant 0 : index
    %get3A_2 = vector.load %arg1[%get3A, %get3A_0, %get3A_1] : memref<4x2048x64xf32, #tpu.memory_space<vmem>>, vector<4x2048x64xf32>
    %slice3A = vector.extract_strided_slice %get3A_2 {offsets = [0, 0, 0], sizes = [1, 2048, 64], strides = [1, 1, 1]} : vector<4x2048x64xf32> to vector<1x2048x64xf32>
    %squeeze3A = vector.shape_cast %slice3A : vector<1x2048x64xf32> to vector<2048x64xf32>
    %slice3A_3 = vector.extract_strided_slice %get3A_2 {offsets = [1, 0, 0], sizes = [1, 2048, 64], strides = [1, 1, 1]} : vector<4x2048x64xf32> to vector<1x2048x64xf32>
    %squeeze3A_4 = vector.shape_cast %slice3A_3 : vector<1x2048x64xf32> to vector<2048x64xf32>
    %slice3A_5 = vector.extract_strided_slice %get3A_2 {offsets = [2, 0, 0], sizes = [1, 2048, 64], strides = [1, 1, 1]} : vector<4x2048x64xf32> to vector<1x2048x64xf32>
    %squeeze3A_6 = vector.shape_cast %slice3A_5 : vector<1x2048x64xf32> to vector<2048x64xf32>
    %slice3A_7 = vector.extract_strided_slice %get3A_2 {offsets = [3, 0, 0], sizes = [1, 2048, 64], strides = [1, 1, 1]} : vector<4x2048x64xf32> to vector<1x2048x64xf32>
    %squeeze3A_8 = vector.shape_cast %slice3A_7 : vector<1x2048x64xf32> to vector<2048x64xf32>
    %concatenate3A = tpu.concatenate %squeeze3A, %squeeze3A_4, %squeeze3A_6, %squeeze3A_8 in 1 : vector<2048x64xf32>, vector<2048x64xf32>, vector<2048x64xf32>, vector<2048x64xf32> -> vector<2048x256xf32>
    %reduce_sum3A = arith.constant dense<0.000000e+00> : vector<2048xf32>
    %reduce_sum3A_9 = vector.multi_reduction <add>, %concatenate3A, %reduce_sum3A [1] : vector<2048x256xf32> to vector<2048xf32>
    %broadcast_in_dim3A = vector.shape_cast %reduce_sum3A_9 : vector<2048xf32> to vector<2048x1xf32>
    %div3A = arith.constant 2.560000e+02 : f32
    %div3A_10 = vector.broadcast %div3A : f32 to vector<2048x1xf32>
    %div3A_11 = arith.divf %broadcast_in_dim3A, %div3A_10 : vector<2048x1xf32>
    %sub3A = vector.broadcast %div3A_11 : vector<2048x1xf32> to vector<2048x256xf32>
    %sub3A_12 = arith.subf %concatenate3A, %sub3A : vector<2048x256xf32>
    %mul3A = arith.mulf %sub3A_12, %sub3A_12 : vector<2048x256xf32>
    %reduce_sum3A_13 = arith.constant dense<0.000000e+00> : vector<2048xf32>
    %reduce_sum3A_14 = vector.multi_reduction <add>, %mul3A, %reduce_sum3A_13 [1] : vector<2048x256xf32> to vector<2048xf32>
    %broadcast_in_dim3A_15 = vector.shape_cast %reduce_sum3A_14 : vector<2048xf32> to vector<2048x1xf32>
    %div3A_16 = arith.constant 2.560000e+02 : f32
    %div3A_17 = vector.broadcast %div3A_16 : f32 to vector<2048x1xf32>
    %div3A_18 = arith.divf %broadcast_in_dim3A_15, %div3A_17 : vector<2048x1xf32>
    %add3A = arith.constant 9.99999974E-6 : f32
    %add3A_19 = vector.broadcast %add3A : f32 to vector<2048x1xf32>
    %add3A_20 = arith.addf %div3A_18, %add3A_19 : vector<2048x1xf32>
    %rsqrt3A = math.rsqrt %add3A_20 : vector<2048x1xf32>
    %mul3A_21 = vector.broadcast %rsqrt3A : vector<2048x1xf32> to vector<2048x256xf32>
    %mul3A_22 = arith.mulf %sub3A_12, %mul3A_21 : vector<2048x256xf32>
    %get3A_23 = arith.constant 0 : index
    %get3A_24 = arith.constant 0 : index
    %get3A_25 = vector.load %arg2[%get3A_23, %get3A_24] : memref<1x256xf32, #tpu.memory_space<vmem>>, vector<1x256xf32>
    %mul3A_26 = vector.broadcast %get3A_25 : vector<1x256xf32> to vector<2048x256xf32>
    %mul3A_27 = arith.mulf %mul3A_22, %mul3A_26 : vector<2048x256xf32>
    %get3A_28 = arith.constant 0 : index
    %get3A_29 = arith.constant 0 : index
    %get3A_30 = vector.load %arg3[%get3A_28, %get3A_29] : memref<1x256xf32, #tpu.memory_space<vmem>>, vector<1x256xf32>
    %add3A_31 = vector.broadcast %get3A_30 : vector<1x256xf32> to vector<2048x256xf32>
    %add3A_32 = arith.addf %mul3A_27, %add3A_31 : vector<2048x256xf32>
    %get3A_33 = arith.constant 0 : index
    %get3A_34 = arith.constant 0 : index
    %get3A_35 = vector.load %arg4[%get3A_33, %get3A_34] : memref<256x128xf32, #tpu.memory_space<vmem>>, vector<256x128xf32>
    %dot_general3A = arith.constant dense<0.000000e+00> : vector<2048x128xf32>
    %dot_general3A_36 = tpu.matmul %add3A_32, %get3A_35, %dot_general3A {dimension_numbers = #tpu.dot_dimension_numbers<[1], [0], [0], [1], [0, 0, 1, 1], [], []>, transpose_lhs_hint = false} : vector<2048x256xf32>, vector<256x128xf32>, vector<2048x128xf32> -> vector<2048x128xf32>
    %get3A_37 = arith.constant 0 : index
    %get3A_38 = arith.constant 0 : index
    %get3A_39 = vector.load %arg5[%get3A_37, %get3A_38] : memref<1x128xf32, #tpu.memory_space<vmem>>, vector<1x128xf32>
    %add3A_40 = vector.broadcast %get3A_39 : vector<1x128xf32> to vector<2048x128xf32>
    %add3A_41 = arith.addf %dot_general3A_36, %add3A_40 : vector<2048x128xf32>
    %max3A = arith.constant 0.000000e+00 : f32
    %max3A_42 = vector.broadcast %max3A : f32 to vector<2048x128xf32>
    %max3A_43 = arith.maximumf %add3A_41, %max3A_42 : vector<2048x128xf32>
    %get3A_44 = arith.constant 0 : index
    %get3A_45 = arith.constant 0 : index
    %get3A_46 = vector.load %arg6[%get3A_44, %get3A_45] : memref<128x64xf32, #tpu.memory_space<vmem>>, vector<128x64xf32>
    %dot_general3A_47 = arith.constant dense<0.000000e+00> : vector<2048x64xf32>
    %dot_general3A_48 = tpu.matmul %max3A_43, %get3A_46, %dot_general3A_47 {dimension_numbers = #tpu.dot_dimension_numbers<[1], [0], [0], [1], [0, 0, 1, 1], [], []>, transpose_lhs_hint = false} : vector<2048x128xf32>, vector<128x64xf32>, vector<2048x64xf32> -> vector<2048x64xf32>
    %get3A_49 = arith.constant 0 : index
    %get3A_50 = arith.constant 0 : index
    %get3A_51 = vector.load %arg7[%get3A_49, %get3A_50] : memref<1x64xf32, #tpu.memory_space<vmem>>, vector<1x64xf32>
    %add3A_52 = vector.broadcast %get3A_51 : vector<1x64xf32> to vector<2048x64xf32>
    %add3A_53 = arith.addf %dot_general3A_48, %add3A_52 : vector<2048x64xf32>
    %reduce_sum3A_54 = arith.constant dense<0.000000e+00> : vector<2048xf32>
    %reduce_sum3A_55 = vector.multi_reduction <add>, %add3A_53, %reduce_sum3A_54 [1] : vector<2048x64xf32> to vector<2048xf32>
    %broadcast_in_dim3A_56 = vector.shape_cast %reduce_sum3A_55 : vector<2048xf32> to vector<2048x1xf32>
    %div3A_57 = arith.constant 6.400000e+01 : f32
    %div3A_58 = vector.broadcast %div3A_57 : f32 to vector<2048x1xf32>
    %div3A_59 = arith.divf %broadcast_in_dim3A_56, %div3A_58 : vector<2048x1xf32>
    %sub3A_60 = vector.broadcast %div3A_59 : vector<2048x1xf32> to vector<2048x64xf32>
    %sub3A_61 = arith.subf %add3A_53, %sub3A_60 : vector<2048x64xf32>
    %mul3A_62 = arith.mulf %sub3A_61, %sub3A_61 : vector<2048x64xf32>
    %reduce_sum3A_63 = arith.constant dense<0.000000e+00> : vector<2048xf32>
    %reduce_sum3A_64 = vector.multi_reduction <add>, %mul3A_62, %reduce_sum3A_63 [1] : vector<2048x64xf32> to vector<2048xf32>
    %broadcast_in_dim3A_65 = vector.shape_cast %reduce_sum3A_64 : vector<2048xf32> to vector<2048x1xf32>
    %div3A_66 = arith.constant 6.400000e+01 : f32
    %div3A_67 = vector.broadcast %div3A_66 : f32 to vector<2048x1xf32>
    %div3A_68 = arith.divf %broadcast_in_dim3A_65, %div3A_67 : vector<2048x1xf32>
    %add3A_69 = arith.constant 9.99999974E-6 : f32
    %add3A_70 = vector.broadcast %add3A_69 : f32 to vector<2048x1xf32>
    %add3A_71 = arith.addf %div3A_68, %add3A_70 : vector<2048x1xf32>
    %rsqrt3A_72 = math.rsqrt %add3A_71 : vector<2048x1xf32>
    %mul3A_73 = vector.broadcast %rsqrt3A_72 : vector<2048x1xf32> to vector<2048x64xf32>
    %mul3A_74 = arith.mulf %sub3A_61, %mul3A_73 : vector<2048x64xf32>
    %get3A_75 = arith.constant 0 : index
    %get3A_76 = arith.constant 0 : index
    %get3A_77 = vector.load %arg8[%get3A_75, %get3A_76] : memref<1x64xf32, #tpu.memory_space<vmem>>, vector<1x64xf32>
    %mul3A_78 = vector.broadcast %get3A_77 : vector<1x64xf32> to vector<2048x64xf32>
    %mul3A_79 = arith.mulf %mul3A_74, %mul3A_78 : vector<2048x64xf32>
    %get3A_80 = arith.constant 0 : index
    %get3A_81 = arith.constant 0 : index
    %get3A_82 = vector.load %arg9[%get3A_80, %get3A_81] : memref<1x64xf32, #tpu.memory_space<vmem>>, vector<1x64xf32>
    %add3A_83 = vector.broadcast %get3A_82 : vector<1x64xf32> to vector<2048x64xf32>
    %add3A_84 = arith.addf %mul3A_79, %add3A_83 : vector<2048x64xf32>
    %swap3A = arith.constant 0 : index
    %swap3A_85 = arith.constant 0 : index
    %swap3A_86 = vector.load %arg10[%swap3A, %swap3A_85] : memref<2048x64xf32, #tpu.memory_space<vmem>>, vector<2048x64xf32>
    tpu.vector_store %arg10[%swap3A, %swap3A_85], %add3A_84 {strides = array<i32>} : memref<2048x64xf32, #tpu.memory_space<vmem>>, vector<2048x64xf32>,
    return
  }
  func.func @transform_0(%arg0: i32) -> (i32, i32, i32) {
    %c0_i32 = arith.constant 0 : i32
    %c0_i32_0 = arith.constant 0 : i32
    %c0_i32_1 = arith.constant 0 : i32
    return %c0_i32, %arg0, %c0_i32_0 : i32, i32, i32
  }
  func.func @transform_1(%arg0: i32) -> (i32, i32) {
    %c0_i32 = arith.constant 0 : i32
    %c0_i32_0 = arith.constant 0 : i32
    %c0_i32_1 = arith.constant 0 : i32
    return %c0_i32, %c0_i32_0 : i32, i32
  }
  func.func @transform_2(%arg0: i32) -> (i32, i32) {
    %c0_i32 = arith.constant 0 : i32
    %c0_i32_0 = arith.constant 0 : i32
    %c0_i32_1 = arith.constant 0 : i32
    return %c0_i32, %c0_i32_0 : i32, i32
  }
  func.func @transform_3(%arg0: i32) -> (i32, i32) {
    %c0_i32 = arith.constant 0 : i32
    %c0_i32_0 = arith.constant 0 : i32
    %c0_i32_1 = arith.constant 0 : i32
    return %c0_i32, %c0_i32_0 : i32, i32
  }
  func.func @transform_4(%arg0: i32) -> (i32, i32) {
    %c0_i32 = arith.constant 0 : i32
    %c0_i32_0 = arith.constant 0 : i32
    %c0_i32_1 = arith.constant 0 : i32
    return %c0_i32, %c0_i32_0 : i32, i32
  }
  func.func @transform_5(%arg0: i32) -> (i32, i32) {
    %c0_i32 = arith.constant 0 : i32
    %c0_i32_0 = arith.constant 0 : i32
    %c0_i32_1 = arith.constant 0 : i32
    return %c0_i32, %c0_i32_0 : i32, i32
  }
  func.func @transform_6(%arg0: i32) -> (i32, i32) {
    %c0_i32 = arith.constant 0 : i32
    %c0_i32_0 = arith.constant 0 : i32
    %c0_i32_1 = arith.constant 0 : i32
    return %c0_i32, %c0_i32_0 : i32, i32
  }
  func.func @transform_7(%arg0: i32) -> (i32, i32) {
    %c0_i32 = arith.constant 0 : i32
    %c0_i32_0 = arith.constant 0 : i32
    %c0_i32_1 = arith.constant 0 : i32
    return %c0_i32, %c0_i32_0 : i32, i32
  }
  func.func @transform_8(%arg0: i32) -> (i32, i32) {
    %c0_i32 = arith.constant 0 : i32
    %c0_i32_0 = arith.constant 0 : i32
    %c0_i32_1 = arith.constant 0 : i32
    return %c0_i32, %c0_i32_0 : i32, i32
  }
  func.func @transform_9(%arg0: i32) -> (i32, i32) {
    %c0_i32 = arith.constant 0 : i32
    %c0_i32_0 = arith.constant 0 : i32
    return %arg0, %c0_i32 : i32, i32
  }
}

</mosaic_0001>

<sc_bundles>
// kernel: kernel.4.cloned.1.call-start
scs
__scs_entry_jumppad:
0x0: {  	(pc) =	sbr.rel $0x88, $3  }
0x1: {  	(tag) =	ssettag $0x0;
	lr =	simm.s32 $0x1  }
0x2: {  	[smem:$0x3F91] =	sst lr;
	_ =	strace $0xD0000000  }
0x3: {  	_ = 	snop  }
0x4: {  	_ = 	snop  }
0x5: {  	_ = 	snop  }
0x6: {  	_ = 	snop  }
0x7: {  	_ = 	snop  }
__scs_overlays_trampoline_lowered:
0x8: {  	[smem:$0x3FA0] =	sst s0  }
0x9: {  	[smem:$0x3FA1] =	sst s1  }
0xa: {  	[smem:$0x3FA2] =	sst s2  }
0xb: {  	[smem:$0x3FA3] =	sst s3  }
0xc: {  	[smem:$0x3FA4] =	sst s4  }
0xd: {  	[smem:$0x3FA5] =	sst s5  }
0xe: {  	[smem:$0x3FA6] =	sst s6  }
0xf: {  	[smem:$0x3FA7] =	sst s7  }
0x10: {  	[smem:$0x3FA8] =	sst s8  }
0x11: {  	[smem:$0x3FA9] =	sst s9;
	s0 =	simm.s32 @!p0 $0x0  }
0x12: {  	s1 =	sld [smem:$0x3F8F];
	s0 =	simm.s32 @p0 $0x1  }
0x13: {  	[smem:$0x3FAA] =	sst s0;
	s0 =	simm.s32 @!p1 $0x0  }
0x14: {  	s2 =	sld [smem:$0x3F8E];
	s0 =	simm.s32 @p1 $0x1  }
0x15: {  	[smem:$0x3FAB] =	sst s0;
	s0 =	simm.s32 @!p2 $0x0  }
0x16: {  	s3 =	sld [smem:$0x3FDB];
	s0 =	simm.s32 @p2 $0x1  }
0x17: {  	s4 =	simm.s32 $0x1BF5;
	[smem:$0x3FAD] =	sst s0  }
0x18: {  	s0 =	sld [smem:$0x3F90];
	_ =	swait.ge [sflag:s4], $0x0  }
0x19: {  	s7 =	sld [smem:$0x3F91]  }
0x1a: {  	s8 =	sadd.s32 $0xFFFFE003, lr  }
0x1b: {  	s9 =	sadd.s32 $0xFFFFFEF7, lr;
	s5 =	simm.s32 $0xFFFFFFFF;
	p2 =	slt.u32 s8, $0xFFFFF086  }
0x1c: {  	p1 =	slt.u32 s9, $0xF7A;
	s5 =	simm.s32 @!p2 $0x0  }
0x1d: {  	s5 =	simm.s32 @p1 $0x1;
	p0 =	seq.s32 s7, s2  }
0x1e: {  	s7 =	smul.u32 @!p0 $0xF7A, s2;
	p2 =	seq.s32 @!p0 s5, $0x0  }
0x1f: {  	s9 =	smul.u32 $0xF7A, s1;
	s8 =	simm.s32 @!p0 $0x1BF5;
	p2 =	por !p2, p0  }
0x20: {  	[sflag:s8] =	ssyncset.s32 @!p0 $0xFFFFF086;
	s6 =	sadd.s32 @!p0 s3, s7;
	s7 =	simm.s32 @!p0 $0x108  }
0x21: {  	s3 =	sadd.s32 s3, s9;
	s6 =	sadd.s32 @!p0 $0x88, s6;
	s7 =	simm.s32 @p2 $0x1082  }
0x22: {  	[simem:s7], [sflag:s8] =	dma.local @!p0 [hbm:s6], $0xF7A  }
0x23: {  	s9 =	sor.u32 $0xD0000000, s2;
	s6 =	simm.s32 $0x108;
	_ =	swait.ge @!p0 [sflag:s8], $0x0  }
0x24: {  	s3 =	sadd.s32 $0x88, s3;
	s6 =	simm.s32 @!p1 $0x1082;
	[sflag:s4] =	ssyncset.s32 $0xFFFFF086  }
0x25: {  	[simem:s6], [sflag:s4] =	dma.local [hbm:s3], $0xF7A  }
0x26: {  	[smem:$0x3F91] =	sst s1;
	(tag) =	ssettag s2;
	_ =	strace s9  }
0x27: {  	s1 =	sld [smem:$0x3FA1]  }
0x28: {  	s2 =	sld [smem:$0x3FA2]  }
0x29: {  	s4 =	sld [smem:$0x3FA4]  }
0x2a: {  	p0 =	seq.s32 s5, $0x0;
	s5 =	sld [smem:$0x3FA5]  }
0x2b: {  	s6 =	sld [smem:$0x3FA6]  }
0x2c: {  	s7 =	sld [smem:$0x3FA7]  }
0x2d: {  	s3 =	simm.s32 $0x108;
	s8 =	sld [smem:$0x3FA8]  }
0x2e: {  	s3 =	simm.s32 @!p0 $0x1082;
	s9 =	sld [smem:$0x3FA9]  }
0x2f: {  	lr =	sadd.s32 s0, s3;
	s0 =	sld [smem:$0x3FA0]  }
0x30: {  	s3 =	sld [smem:$0x3FA3]  }
0x31: {  	[smem:$0x3FAC] =	sst s10  }
0x32: {  	s10 =	sld [smem:$0x3FAA];
	_ =	sdelay $0x3  }
0x33: {  	p0 =	seq.s32 s10, $0x1;
	s10 =	sld [smem:$0x3FAC];
	_ =	sdelay $0x3  }
0x34: {  	[smem:$0x3FAC] =	sst s10  }
0x35: {  	s10 =	sld [smem:$0x3FAB];
	_ =	sdelay $0x3  }
0x36: {  	p1 =	seq.s32 s10, $0x1;
	s10 =	sld [smem:$0x3FAC];
	_ =	sdelay $0x3  }
0x37: {  	[smem:$0x3FAC] =	sst s10  }
0x38: {  	s10 =	sld [smem:$0x3FAD]  }
0x39: {  	_ = 	snop;
	(pc) =	sbr.ind lr, $3  }
0x3a: {  	_ = 	snop  }
0x3b: {  	_ = 	snop  }
0x3c: {  	p2 =	seq.s32 s10, $0x1;
	s10 =	sld [smem:$0x3FAC]  }
0x3d: {  	_ =	shalt  }
0x3e: {  	_ =	shalt  }
0x3f: {  	_ =	shalt  }
0x40: {  	_ =	shalt  }
0x41: {  	_ =	shalt  }
0x42: {  	_ =	shalt  }
0x43: {  	_ =	shalt  }
0x44: {  	_ =	shalt  }
0x45: {  	_ =	shalt  }
0x46: {  	_ =	shalt  }
0x47: {  	_ =	shalt  }
0x48: {  	_ =	shalt  }
0x49: {  	_ =	shalt  }
0x4a: {  	_ =	shalt  }
0x4b: {  	_ =	shalt  }
0x4c: {  	_ =	shalt  }
0x4d: {  	_ =	shalt  }
0x4e: {  	_ =	shalt  }
0x4f: {  	_ =	shalt  }
0x50: {  	_ =	shalt  }
0x51: {  	_ =	shalt  }
0x52: {  	_ =	shalt  }
0x53: {  	_ =	shalt  }
0x54: {  	_ =	shalt  }
0x55: {  	_ =	shalt  }
0x56: {  	_ =	shalt  }
0x57: {  	_ =	shalt  }
0x58: {  	_ =	shalt  }
0x59: {  	_ =	shalt  }
0x5a: {  	_ =	shalt  }
0x5b: {  	_ =	shalt  }
0x5c: {  	_ =	shalt  }
0x5d: {  	_ =	shalt  }
0x5e: {  	_ =	shalt  }
0x5f: {  	_ =	shalt  }
0x60: {  	_ =	shalt  }
0x61: {  	_ =	shalt  }
0x62: {  	_ =	shalt  }
0x63: {  	_ =	shalt  }
0x64: {  	_ =	shalt  }
0x65: {  	_ =	shalt  }
0x66: {  	_ =	shalt  }
0x67: {  	_ =	shalt  }
0x68: {  	_ =	shalt  }
0x69: {  	_ =	shalt  }
0x6a: {  	_ =	shalt  }
0x6b: {  	_ =	shalt  }
0x6c: {  	_ =	shalt  }
0x6d: {  	_ =	shalt  }
0x6e: {  	_ =	shalt  }
0x6f: {  	_ =	shalt  }
0x70: {  	_ =	shalt  }
0x71: {  	_ =	shalt  }
0x72: {  	_ =	shalt  }
0x73: {  	_ =	shalt  }
0x74: {  	_ =	shalt  }
0x75: {  	_ =	shalt  }
0x76: {  	_ =	shalt  }
0x77: {  	_ =	shalt  }
0x78: {  	_ =	shalt  }
0x79: {  	_ =	shalt  }
0x7a: {  	_ =	shalt  }
0x7b: {  	_ =	shalt  }
0x7c: {  	_ =	shalt  }
0x7d: {  	_ =	shalt  }
0x7e: {  	_ =	shalt  }
0x7f: {  	_ =	shalt  }
0x80: {  	_ =	shalt  }
0x81: {  	_ =	shalt  }
0x82: {  	_ =	shalt  }
0x83: {  	_ =	shalt  }
0x84: {  	_ =	shalt  }
0x85: {  	_ =	shalt  }
0x86: {  	_ =	shalt  }
0x87: {  	_ =	shalt  }
.Lfunc_end0:
.L_simem_size_0:
called_computation_lowered:
.L_overlay_start_0:
0x88: {  	s2 =	sld [smem:$0x3FD9]  }
0x89: {  	s3 =	sld [smem:$0x3FFE];
	_ =	sdelay $0x1  }
0x8a: {  	s1 =	srdreg.scid  }
0x8b: {  	s0 =	sand.u32 $0x1, s1  }
0x8c: {  	s17 =	sshll.u32 s0, $0xA;
	s2 =	sadd.s32 s3, s2  }
0x8d: {  	s2 =	sadd.s32 s2, s17  }
0x8e: {  	[smem:$0x3FB8] =	sst s2  }
0x8f: {  	_ = 	snop  }
0x90: {  	s2 =	sld [smem:$0x3FC9]  }
0x91: {  	s18 =	sld [smem:$0x3FC8]  }
0x92: {  	s4 =	sld [smem:$0x3FC7]  }
0x93: {  	s5 =	sld [smem:$0x3FC6]  }
0x94: {  	s6 =	sld [smem:$0x3FD0];
	(tm) =	ssettm $0x1  }
0x95: {  	s7 =	sld [smem:$0x3FFB];
	_ =	sdelay $0x3  }
0x96: {  	_ =	strace s7  }
0x97: {  	s7 =	sld [smem:$0x3FFC];
	_ =	sdelay $0x3  }
0x98: {  	_ =	strace s7  }
0x99: {  	s7 =	sld [smem:$0x3FFD];
	_ =	sdelay $0x3  }
0x9a: {  	_ =	strace s7  }
0x9b: {  	_ =	strace $0x8FFFFFFF  }
0x9c: {  	s19 =	sld [smem:$0x3FDB];
	_ =	sdelay $0x1  }
0x9d: {  	s8 =	simm.s32 $_scs_section_size  }
0x9e: {  	s9 =	simm.s32 $_size__tile_overlayer_lowered;
	s10 =	simm.s32 $_tile_overlayer_lowered  }
0x9f: {  	s22 =	simm.s32 $0x1BFF;
	s21 =	sshll.u32 s10, $0x1;
	s7 =	sadd.s32 s8, s19  }
0xa0: {  	s11 =	simm.s32 $0x0;
	s20 =	sshll.u32 s9, $0x1;
	s9 =	sadd.s32 s21, s7  }
0xa1: {  	[timem:s11], [sflag:s22] =	dma.local [hbm:s9], s20  }
0xa2: {  	_ =	swait.ge [sflag:s22], s20  }
0xa3: {  	s8 =	ssub.s32 $0x0, s20;
	[sflag:s22] =	ssyncset.done $0x0  }
0xa4: {  	[sflag:s22] =	ssyncadd.s32 s8;
	_ =	sdelay $0x1  }
0xa5: {  	s23 =	simm.s32 $0x1B8B  }
0xa6: {  	_ =	swait.ge [sflag:s23], $0x1  }
0xa7: {  	[sflag:s23] =	ssyncset.done $0x0  }
0xa8: {  	s25 =	simm.s32 $0x1B8E;
	s24 =	sld [smem:$0x3FFE];
	[sflag:s23] =	ssyncadd.s32 $0xFFFFFFFF  }
0xa9: {  	s26 =	simm.s32 $execute0_lowered;
	[smem:$0x3FD2] =	sst s25  }
0xaa: {  	s9 =	sshll.u32 s26, $0x1;
	_ =	strace $0x80000046;
	[dreg:$0x1] =	wrdreg $0xFFFFFFFF  }
0xab: {  	s28 =	simm.s32 $_size_execute0_lowered;
	s7 =	sadd.s32 s7, s9;
	[dreg:$0x0] =	wrdreg $0x0  }
0xac: {  	s9 =	sshll.u32 s28, $0x1;
	[dreg:$0x2] =	wrdreg s7  }
0xad: {  	[dreg:$0x3] =	wrdreg s9  }
0xae: {  	[dreg:$0x4] =	wrdreg $0xC0  }
0xaf: {  	_ =	task [dreg:s11], $0x5FFFF  }
0xb0: {  	[dreg:$0x1] =	wrdreg $0xFFFFFFFF  }
0xb1: {  	[dreg:$0x0] =	wrdreg $0x60  }
0xb2: {  	[dreg:$0x2] =	wrdreg s2  }
0xb3: {  	[dreg:$0x3] =	wrdreg s18  }
0xb4: {  	[dreg:$0x4] =	wrdreg s4  }
0xb5: {  	[dreg:$0x5] =	wrdreg s5  }
0xb6: {  	[dreg:$0x6] =	wrdreg s6  }
0xb7: {  	[dreg:$0x7] =	wrdreg s24  }
0xb8: {  	[dreg:$0x8] =	wrdreg $0x9  }
0xb9: {  	_ =	task.clear_ibuf [dreg:s11], $0x9FFFF;
	_ =	strace $0x90000046  }
0xba: {  	s29 =	simm.s32 $0x9;
	_ =	strace $0x80000048  }
0xbb: {  	_ =	swait.ge [sflag:s29], $0x1  }
0xbc: {  	[sflag:s29] =	ssyncadd.s32 $0xFFFFFFFF  }
0xbd: {  	_ =	strace $0x90000048  }
0xbe: {  	_ =	sfence  }
0xbf: {  	s30 =	sld [smem:$0x0];
	_ =	sdelay $0x2  }
0xc0: {  	s31 =	sshll.u32 s1, $0xD;
	s1 =	sshrl.u32 s1, $0x2  }
0xc1: {  	s3 =	sand.u32 $0x4000, s31;
	s1 =	sadd.s32 s1, s30  }
0xc2: {  	s0 =	sor.u32 s3, s0;
	s1 =	sshll.u32 s1, $0x11  }
0xc3: {  	s0 =	sor.u32 s1, s0  }
0xc4: {  	s0 =	sadd.s32 $0x8F2B, s0  }
0xc5: {  	[sflag:s0] =	ssyncadd.remote.s32 $0x1  }
0xc6: {  	_ =	sfence.sel $0xFFFF  }
0xc7: {  	[dreg:$0x0] =	wrdreg $0xFFFFFFFF;
	(pc) =	sbr.abs _section_cstart, $3  }
0xc8: {  	[dreg:$0x1] =	wrdreg $0xFFFFFFFF  }
0xc9: {  	_ =	task.clear_ibuf [dreg:s11], $0x2FFFF;
	_ =	strace $0x9FFFFFFF  }
0xca: {  	(tm) =	ssettm $0x7FFFFFFF  }
0xcb: {  	_ =	shalt  }
tec
execute0_lowered:
.L_overlay_start_1:
0x0: {  	(tag) =	ssettag $0x1  }
0x1: {  	s0 =	rddreg [dreg:$0x0]  }
0x2: {  	s1 =	rddreg [dreg:$0x1]  }
0x3: {  	s4 =	rddreg [dreg:$0x2]  }
0x4: {  	s5 =	rddreg [dreg:$0x3]  }
0x5: {  	s26 =	rddreg [dreg:$0x4]  }
0x6: {  	s6 =	rddreg [dreg:$0x5];
	s3 =	srdreg.scid  }
0x7: {  	s2 =	simm.s32 $0x0;
	s7 =	stileid.u32;
	p0 =	por $0x0, $0x0  }
0x8: {  	s8 =	sand.u32 $0x1, s3;
	[smem:$0x7FF] =	sst s2;
	s20 =	sadd.s32 $0x188200, s6  }
0x9: {  	s10 =	sshll.u32 s7, $0xA;
	s7 =	sadd.s32 $0x16E4E00, s6;
	s11 =	sshll.u32 s8, $0x9  }
0xa: {  	s3 =	sadd.s32 $0xF43C00, s6;
	_ =	strace $0x80000047;
	s9 =	sor.u32 s11, s10  }
0xb: {  	s8 =	ssub.s32 $0x2, s8;
	s10 =	sshll.u32 s9, $0x3;
	s9 =	sshrl.u32 s9, $0x3  }
0xc: {  	s6 =	sadd.s32 s10, s6;
	s12 =	sadd.s32 s0, s9;
	s11 =	sor.u32 $0x10, s9  }
0xd: {  	s15 =	sor.u32 $0x30, s9;
	s31 =	sadd.s32 s1, s9;
	s24 =	sadd.s32 s4, s9  }
0xe: {  	s18 =	sadd.s32 s5, s9;
	s10 =	simm.s32 $0x100;
	[dreg:$0x7] =	wrdreg s12  }
0xf: {  	s13 =	sadd.s32 s0, s11;
	s12 =	sor.u32 $0x20, s9;
	s16 =	sadd.s32 $0x1800, s6  }
0x10: {  	s30 =	sadd.s32 s1, s11;
	s28 =	sadd.s32 s1, s15;
	s25 =	sadd.s32 $0x21800, s6  }
0x11: {  	s23 =	sadd.s32 s4, s11;
	s21 =	sadd.s32 s4, s15;
	s19 =	sadd.s32 $0x41800, s6  }
0x12: {  	s9 =	simm.s32 $0x80;
	[dreg:$0x8] =	wrdreg s13;
	s13 =	sshrl.u32 s8, $0x1  }
0x13: {  	s14 =	sadd.s32 s0, s12;
	s0 =	sadd.s32 s0, s15;
	s8 =	ssub.s32 s8, s13  }
0x14: {  	[dreg:$0xb] =	wrdreg s16;
	s29 =	sadd.s32 s1, s12;
	s17 =	smax.u32 s8, $0x1  }
0x15: {  	s22 =	sadd.s32 s4, s12;
	s1 =	rddreg [dreg:$0x7];
	p1 =	sne.s32 s17, $0x1  }
.Ltmp0:
0x16: {  	s4 =	simm.s32 $0x2;
	[dreg:$0x9] =	wrdreg s14;
	(pc) =	sbr.rel @!p1 .LBB2_3-.Ltmp0, $4  }
0x17: {  	s16 =	simm.s32 $0x4200;
	[dreg:$0xa] =	wrdreg s0;
	s14 =	sadd.s32 s5, s11  }
0x18: {  	s13 =	sadd.s32 s5, s12;
	s11 =	sadd.s32 s5, s15;
	s5 =	sadd.s32 $0x61800, s6  }
0x19: {  	s12 =	simm.s32 $0x180;
	s6 =	simm.s32 $0x200;
	s15 =	simm.s32 $0x2200  }
0x1a: {  	s8 =	simm.s32 $0x1;
	s0 =	sadd.s32 $0xFFFFFFFF, s17;
	s17 =	simm.s32 $0x6200  }
0x1b: {  	[tilespmem:s2], [sflag:$0x2] =	stream.linear.gather [hbm4b:s1+s2], $0x80, $0x38;
	[tilespmem:$0x8200] =	vst v63  }
0x1c: {  	_ =	swait.ge [sflag:s4], $0x80  }
0x1d: {  	[sflag:s4] =	ssyncset.done $0x0  }
0x1e: {  	s1 =	rddreg [dreg:$0x8];
	[sflag:s4] =	ssyncadd.s32 $0xFFFFFF80  }
0x1f: {  	[tilespmem:s9], [sflag:$0x2] =	stream.linear.gather [hbm4b:s1+s2], $0x80, $0x38;
	[tilespmem:$0x8200] =	vst v63  }
0x20: {  	_ =	swait.ge [sflag:s4], $0x80  }
0x21: {  	[sflag:s4] =	ssyncset.done $0x0  }
0x22: {  	s1 =	rddreg [dreg:$0x9];
	[sflag:s4] =	ssyncadd.s32 $0xFFFFFF80  }
0x23: {  	[tilespmem:s10], [sflag:$0x2] =	stream.linear.gather [hbm4b:s1+s2], $0x80, $0x38;
	[tilespmem:$0x8200] =	vst v63  }
0x24: {  	_ =	swait.ge [sflag:s4], $0x80  }
0x25: {  	[sflag:s4] =	ssyncset.done $0x0  }
0x26: {  	s1 =	rddreg [dreg:$0xa];
	[sflag:s4] =	ssyncadd.s32 $0xFFFFFF80  }
0x27: {  	[tilespmem:s12], [sflag:$0x2] =	stream.linear.gather [hbm4b:s1+s2], $0x80, $0x38;
	[tilespmem:$0x8200] =	vst v63  }
0x28: {  	_ =	swait.ge [sflag:s4], $0x80  }
0x29: {  	[sflag:s4] =	ssyncset.done $0x0  }
0x2a: {  	[sflag:s4] =	ssyncadd.s32 $0xFFFFFF80  }
0x2b: {  	[tilespmem:s6], [sflag:$0x1] =	stream.indirect.gather [hbm4b:s26+s9], $0x40, s2, s9, $0xb8;
	[tilespmem:$0x8200] =	vst v63  }
0x2c: {  	_ = 	snop  }
0x2d: {  	[tilespmem:s15], [sflag:$0x1] =	stream.indirect.gather [hbm4b:s26+s9], $0x40, s9, s9, $0xb8;
	[tilespmem:$0x8200] =	vst v63  }
0x2e: {  	_ = 	snop  }
0x2f: {  	[tilespmem:s16], [sflag:$0x1] =	stream.indirect.gather [hbm4b:s26+s9], $0x40, s10, s9, $0xb8;
	[tilespmem:$0x8200] =	vst v63  }
0x30: {  	_ = 	snop  }
0x31: {  	[tilespmem:s17], [sflag:$0x1] =	stream.indirect.gather [hbm4b:s26+s9], $0x40, s12, s9, $0xb8;
	[tilespmem:$0x8200] =	vst v63  }
0x32: {  	_ =	swait.ge [sflag:s8], $0x2000  }
0x33: {  	[sflag:s8] =	ssyncset.done $0x0  }
0x34: {  	[sflag:s8] =	ssyncadd.s32 $0xFFFFE000  }
0x35: {  	_ =	swait.ge [sflag:s8], $0x2000  }
0x36: {  	[sflag:s8] =	ssyncset.done $0x0  }
0x37: {  	[sflag:s8] =	ssyncadd.s32 $0xFFFFE000  }
0x38: {  	_ =	swait.ge [sflag:s8], $0x2000  }
0x39: {  	[sflag:s8] =	ssyncset.done $0x0  }
0x3a: {  	[sflag:s8] =	ssyncadd.s32 $0xFFFFE000  }
0x3b: {  	_ =	swait.ge [sflag:s8], $0x2000  }
0x3c: {  	[sflag:s8] =	ssyncset.done $0x0  }
0x3d: {  	s1 =	rddreg [dreg:$0xb];
	[sflag:s8] =	ssyncadd.s32 $0xFFFFE000  }
0x3e: {  	[hbm4b:s1+s2] =	stream.linear.scatter [tilespmem:s6], [sflag:$0x2], $0x8000, $0x38;
	[tilespmem:$0x8200] =	vst v63  }
0x3f: {  	_ =	swait.ge [sflag:s4], $0x8000  }
0x40: {  	[sflag:s4] =	ssyncset.done $0x0  }
0x41: {  	[sflag:s4] =	ssyncadd.s32 $0xFFFF8000  }
0x42: {  	[tilespmem:s2], [sflag:$0x2] =	stream.linear.gather [hbm4b:s31+s2], $0x80, $0x38;
	[tilespmem:$0x8200] =	vst v63  }
0x43: {  	_ =	swait.ge [sflag:s4], $0x80  }
0x44: {  	[sflag:s4] =	ssyncset.done $0x0  }
0x45: {  	[sflag:s4] =	ssyncadd.s32 $0xFFFFFF80  }
0x46: {  	[tilespmem:s9], [sflag:$0x2] =	stream.linear.gather [hbm4b:s30+s2], $0x80, $0x38;
	[tilespmem:$0x8200] =	vst v63  }
0x47: {  	_ =	swait.ge [sflag:s4], $0x80  }
0x48: {  	[sflag:s4] =	ssyncset.done $0x0  }
0x49: {  	[sflag:s4] =	ssyncadd.s32 $0xFFFFFF80  }
0x4a: {  	[tilespmem:s10], [sflag:$0x2] =	stream.linear.gather [hbm4b:s29+s2], $0x80, $0x38;
	[tilespmem:$0x8200] =	vst v63  }
0x4b: {  	_ =	swait.ge [sflag:s4], $0x80  }
0x4c: {  	[sflag:s4] =	ssyncset.done $0x0  }
0x4d: {  	[sflag:s4] =	ssyncadd.s32 $0xFFFFFF80  }
0x4e: {  	[tilespmem:s12], [sflag:$0x2] =	stream.linear.gather [hbm4b:s28+s2], $0x80, $0x38;
	[tilespmem:$0x8200] =	vst v63  }
0x4f: {  	_ =	swait.ge [sflag:s4], $0x80  }
0x50: {  	[sflag:s4] =	ssyncset.done $0x0  }
0x51: {  	[sflag:s4] =	ssyncadd.s32 $0xFFFFFF80  }
0x52: {  	[tilespmem:s6], [sflag:$0x1] =	stream.indirect.gather [hbm4b:s20+s9], $0x40, s2, s9, $0xb8;
	[tilespmem:$0x8200] =	vst v63  }
0x53: {  	_ = 	snop  }
0x54: {  	[tilespmem:s15], [sflag:$0x1] =	stream.indirect.gather [hbm4b:s20+s9], $0x40, s9, s9, $0xb8;
	[tilespmem:$0x8200] =	vst v63  }
0x55: {  	_ = 	snop  }
0x56: {  	[tilespmem:s16], [sflag:$0x1] =	stream.indirect.gather [hbm4b:s20+s9], $0x40, s10, s9, $0xb8;
	[tilespmem:$0x8200] =	vst v63  }
0x57: {  	_ = 	snop  }
0x58: {  	[tilespmem:s17], [sflag:$0x1] =	stream.indirect.gather [hbm4b:s20+s9], $0x40, s12, s9, $0xb8;
	[tilespmem:$0x8200] =	vst v63  }
0x59: {  	_ =	swait.ge [sflag:s8], $0x2000  }
0x5a: {  	[sflag:s8] =	ssyncset.done $0x0  }
0x5b: {  	[sflag:s8] =	ssyncadd.s32 $0xFFFFE000  }
0x5c: {  	_ =	swait.ge [sflag:s8], $0x2000  }
0x5d: {  	[sflag:s8] =	ssyncset.done $0x0  }
0x5e: {  	[sflag:s8] =	ssyncadd.s32 $0xFFFFE000  }
0x5f: {  	_ =	swait.ge [sflag:s8], $0x2000  }
0x60: {  	[sflag:s8] =	ssyncset.done $0x0  }
0x61: {  	[sflag:s8] =	ssyncadd.s32 $0xFFFFE000  }
0x62: {  	_ =	swait.ge [sflag:s8], $0x2000  }
0x63: {  	[sflag:s8] =	ssyncset.done $0x0  }
0x64: {  	[sflag:s8] =	ssyncadd.s32 $0xFFFFE000  }
0x65: {  	[hbm4b:s25+s2] =	stream.linear.scatter [tilespmem:s6], [sflag:$0x2], $0x8000, $0x38;
	[tilespmem:$0x8200] =	vst v63  }
0x66: {  	_ =	swait.ge [sflag:s4], $0x8000  }
0x67: {  	[sflag:s4] =	ssyncset.done $0x0  }
0x68: {  	[sflag:s4] =	ssyncadd.s32 $0xFFFF8000  }
0x69: {  	[tilespmem:s2], [sflag:$0x2] =	stream.linear.gather [hbm4b:s24+s2], $0x80, $0x38;
	[tilespmem:$0x8200] =	vst v63  }
0x6a: {  	_ =	swait.ge [sflag:s4], $0x80  }
0x6b: {  	[sflag:s4] =	ssyncset.done $0x0  }
0x6c: {  	[sflag:s4] =	ssyncadd.s32 $0xFFFFFF80  }
0x6d: {  	[tilespmem:s9], [sflag:$0x2] =	stream.linear.gather [hbm4b:s23+s2], $0x80, $0x38;
	[tilespmem:$0x8200] =	vst v63  }
0x6e: {  	_ =	swait.ge [sflag:s4], $0x80  }
0x6f: {  	[sflag:s4] =	ssyncset.done $0x0  }
0x70: {  	[sflag:s4] =	ssyncadd.s32 $0xFFFFFF80  }
0x71: {  	[tilespmem:s10], [sflag:$0x2] =	stream.linear.gather [hbm4b:s22+s2], $0x80, $0x38;
	[tilespmem:$0x8200] =	vst v63  }
0x72: {  	_ =	swait.ge [sflag:s4], $0x80  }
0x73: {  	[sflag:s4] =	ssyncset.done $0x0  }
0x74: {  	[sflag:s4] =	ssyncadd.s32 $0xFFFFFF80  }
0x75: {  	[tilespmem:s12], [sflag:$0x2] =	stream.linear.gather [hbm4b:s21+s2], $0x80, $0x38;
	[tilespmem:$0x8200] =	vst v63  }
0x76: {  	_ =	swait.ge [sflag:s4], $0x80  }
0x77: {  	[sflag:s4] =	ssyncset.done $0x0  }
0x78: {  	[sflag:s4] =	ssyncadd.s32 $0xFFFFFF80  }
0x79: {  	[tilespmem:s6], [sflag:$0x1] =	stream.indirect.gather [hbm4b:s7+s9], $0x40, s2, s9, $0xb8;
	[tilespmem:$0x8200] =	vst v63  }
0x7a: {  	_ = 	snop  }
0x7b: {  	[tilespmem:s15], [sflag:$0x1] =	stream.indirect.gather [hbm4b:s7+s9], $0x40, s9, s9, $0xb8;
	[tilespmem:$0x8200] =	vst v63  }
0x7c: {  	_ = 	snop  }
0x7d: {  	[tilespmem:s16], [sflag:$0x1] =	stream.indirect.gather [hbm4b:s7+s9], $0x40, s10, s9, $0xb8;
	[tilespmem:$0x8200] =	vst v63  }
0x7e: {  	_ = 	snop  }
0x7f: {  	[tilespmem:s17], [sflag:$0x1] =	stream.indirect.gather [hbm4b:s7+s9], $0x40, s12, s9, $0xb8;
	[tilespmem:$0x8200] =	vst v63  }
0x80: {  	_ =	swait.ge [sflag:s8], $0x2000  }
0x81: {  	[sflag:s8] =	ssyncset.done $0x0  }
0x82: {  	[sflag:s8] =	ssyncadd.s32 $0xFFFFE000  }
0x83: {  	_ =	swait.ge [sflag:s8], $0x2000  }
0x84: {  	[sflag:s8] =	ssyncset.done $0x0  }
0x85: {  	[sflag:s8] =	ssyncadd.s32 $0xFFFFE000  }
0x86: {  	_ =	swait.ge [sflag:s8], $0x2000  }
0x87: {  	[sflag:s8] =	ssyncset.done $0x0  }
0x88: {  	[sflag:s8] =	ssyncadd.s32 $0xFFFFE000  }
0x89: {  	_ =	swait.ge [sflag:s8], $0x2000  }
0x8a: {  	[sflag:s8] =	ssyncset.done $0x0  }
0x8b: {  	[sflag:s8] =	ssyncadd.s32 $0xFFFFE000  }
0x8c: {  	[hbm4b:s19+s2] =	stream.linear.scatter [tilespmem:s6], [sflag:$0x2], $0x8000, $0x38;
	[tilespmem:$0x8200] =	vst v63  }
0x8d: {  	_ =	swait.ge [sflag:s4], $0x8000  }
0x8e: {  	[sflag:s4] =	ssyncset.done $0x0  }
0x8f: {  	[sflag:s4] =	ssyncadd.s32 $0xFFFF8000  }
0x90: {  	[tilespmem:s2], [sflag:$0x2] =	stream.linear.gather [hbm4b:s18+s2], $0x80, $0x38;
	[tilespmem:$0x8200] =	vst v63  }
0x91: {  	_ =	swait.ge [sflag:s4], $0x80  }
0x92: {  	[sflag:s4] =	ssyncset.done $0x0  }
0x93: {  	[sflag:s4] =	ssyncadd.s32 $0xFFFFFF80  }
0x94: {  	[tilespmem:s9], [sflag:$0x2] =	stream.linear.gather [hbm4b:s14+s2], $0x80, $0x38;
	[tilespmem:$0x8200] =	vst v63  }
0x95: {  	_ =	swait.ge [sflag:s4], $0x80  }
0x96: {  	[sflag:s4] =	ssyncset.done $0x0  }
0x97: {  	[sflag:s4] =	ssyncadd.s32 $0xFFFFFF80  }
0x98: {  	[tilespmem:s10], [sflag:$0x2] =	stream.linear.gather [hbm4b:s13+s2], $0x80, $0x38;
	[tilespmem:$0x8200] =	vst v63  }
0x99: {  	_ =	swait.ge [sflag:s4], $0x80  }
0x9a: {  	[sflag:s4] =	ssyncset.done $0x0  }
0x9b: {  	[sflag:s4] =	ssyncadd.s32 $0xFFFFFF80  }
0x9c: {  	[tilespmem:s12], [sflag:$0x2] =	stream.linear.gather [hbm4b:s11+s2], $0x80, $0x38;
	[tilespmem:$0x8200] =	vst v63  }
0x9d: {  	_ =	swait.ge [sflag:s4], $0x80  }
0x9e: {  	[sflag:s4] =	ssyncset.done $0x0  }
0x9f: {  	[sflag:s4] =	ssyncadd.s32 $0xFFFFFF80  }
0xa0: {  	[tilespmem:s6], [sflag:$0x1] =	stream.indirect.gather [hbm4b:s3+s9], $0x40, s2, s9, $0xb8;
	[tilespmem:$0x8200] =	vst v63  }
0xa1: {  	_ = 	snop  }
0xa2: {  	[tilespmem:s15], [sflag:$0x1] =	stream.indirect.gather [hbm4b:s3+s9], $0x40, s9, s9, $0xb8;
	[tilespmem:$0x8200] =	vst v63  }
0xa3: {  	_ = 	snop  }
0xa4: {  	[tilespmem:s16], [sflag:$0x1] =	stream.indirect.gather [hbm4b:s3+s9], $0x40, s10, s9, $0xb8;
	[tilespmem:$0x8200] =	vst v63  }
0xa5: {  	_ = 	snop  }
0xa6: {  	[tilespmem:s17], [sflag:$0x1] =	stream.indirect.gather [hbm4b:s3+s9], $0x40, s12, s9, $0xb8;
	[tilespmem:$0x8200] =	vst v63  }
0xa7: {  	_ =	swait.ge [sflag:s8], $0x2000  }
0xa8: {  	[sflag:s8] =	ssyncset.done $0x0  }
0xa9: {  	[sflag:s8] =	ssyncadd.s32 $0xFFFFE000  }
0xaa: {  	_ =	swait.ge [sflag:s8], $0x2000  }
0xab: {  	[sflag:s8] =	ssyncset.done $0x0  }
0xac: {  	[sflag:s8] =	ssyncadd.s32 $0xFFFFE000  }
0xad: {  	_ =	swait.ge [sflag:s8], $0x2000  }
0xae: {  	[sflag:s8] =	ssyncset.done $0x0  }
0xaf: {  	[sflag:s8] =	ssyncadd.s32 $0xFFFFE000  }
0xb0: {  	p1 =	sne.s32 s0, $0x1;
	_ =	swait.ge [sflag:s8], $0x2000  }
.Ltmp1:
0xb1: {  	[sflag:s8] =	ssyncset.done $0x0;
	(pc) =	sbr.rel @!p1 .LBB2_3-.Ltmp1, $4  }
0xb2: {  	[sflag:s8] =	ssyncadd.s32 $0xFFFFE000  }
0xb3: {  	[hbm4b:s5+s2] =	stream.linear.scatter [tilespmem:s6], [sflag:$0x2], $0x8000, $0x38;
	[tilespmem:$0x8200] =	vst v63  }
0xb4: {  	s0 =	sadd.s32 $0xFFFFFFFF, s0;
	_ =	swait.ge [sflag:s4], $0x8000  }
0xb5: {  	p0 =	por $0x1, $0x1;
	s1 =	rddreg [dreg:$0x7];
	[sflag:s4] =	ssyncset.done $0x0  }
.LBB2_2:
0xb6: {  	[sflag:s4] =	ssyncadd.s32 $0xFFFF8000  }
0xb7: {  	[tilespmem:s2], [sflag:$0x2] =	stream.linear.gather [hbm4b:s1+s2], $0x80, $0x38;
	[tilespmem:$0x8200] =	vst v63  }
0xb8: {  	_ =	swait.ge [sflag:s4], $0x80  }
0xb9: {  	[sflag:s4] =	ssyncset.done $0x0  }
0xba: {  	s1 =	rddreg [dreg:$0x8];
	[sflag:s4] =	ssyncadd.s32 $0xFFFFFF80  }
0xbb: {  	[tilespmem:s9], [sflag:$0x2] =	stream.linear.gather [hbm4b:s1+s2], $0x80, $0x38;
	[tilespmem:$0x8200] =	vst v63  }
0xbc: {  	_ =	swait.ge [sflag:s4], $0x80  }
0xbd: {  	[sflag:s4] =	ssyncset.done $0x0  }
0xbe: {  	s1 =	rddreg [dreg:$0x9];
	[sflag:s4] =	ssyncadd.s32 $0xFFFFFF80  }
0xbf: {  	[tilespmem:s10], [sflag:$0x2] =	stream.linear.gather [hbm4b:s1+s2], $0x80, $0x38;
	[tilespmem:$0x8200] =	vst v63  }
0xc0: {  	_ =	swait.ge [sflag:s4], $0x80  }
0xc1: {  	[sflag:s4] =	ssyncset.done $0x0  }
0xc2: {  	s1 =	rddreg [dreg:$0xa];
	[sflag:s4] =	ssyncadd.s32 $0xFFFFFF80  }
0xc3: {  	[tilespmem:s12], [sflag:$0x2] =	stream.linear.gather [hbm4b:s1+s2], $0x80, $0x38;
	[tilespmem:$0x8200] =	vst v63  }
0xc4: {  	_ =	swait.ge [sflag:s4], $0x80  }
0xc5: {  	[sflag:s4] =	ssyncset.done $0x0  }
0xc6: {  	[sflag:s4] =	ssyncadd.s32 $0xFFFFFF80  }
0xc7: {  	[tilespmem:s6], [sflag:$0x1] =	stream.indirect.gather [hbm4b:s26+s9], $0x40, s2, s9, $0xb8;
	[tilespmem:$0x8200] =	vst v63  }
0xc8: {  	_ = 	snop  }
0xc9: {  	[tilespmem:s15], [sflag:$0x1] =	stream.indirect.gather [hbm4b:s26+s9], $0x40, s9, s9, $0xb8;
	[tilespmem:$0x8200] =	vst v63  }
0xca: {  	_ = 	snop  }
0xcb: {  	[tilespmem:s16], [sflag:$0x1] =	stream.indirect.gather [hbm4b:s26+s9], $0x40, s10, s9, $0xb8;
	[tilespmem:$0x8200] =	vst v63  }
0xcc: {  	_ = 	snop  }
0xcd: {  	[tilespmem:s17], [sflag:$0x1] =	stream.indirect.gather [hbm4b:s26+s9], $0x40, s12, s9, $0xb8;
	[tilespmem:$0x8200] =	vst v63  }
0xce: {  	_ =	swait.ge [sflag:s8], $0x2000  }
0xcf: {  	[sflag:s8] =	ssyncset.done $0x0  }
0xd0: {  	[sflag:s8] =	ssyncadd.s32 $0xFFFFE000  }
0xd1: {  	_ =	swait.ge [sflag:s8], $0x2000  }
0xd2: {  	[sflag:s8] =	ssyncset.done $0x0  }
0xd3: {  	[sflag:s8] =	ssyncadd.s32 $0xFFFFE000  }
0xd4: {  	_ =	swait.ge [sflag:s8], $0x2000  }
0xd5: {  	[sflag:s8] =	ssyncset.done $0x0  }
0xd6: {  	[sflag:s8] =	ssyncadd.s32 $0xFFFFE000  }
0xd7: {  	_ =	swait.ge [sflag:s8], $0x2000  }
0xd8: {  	[sflag:s8] =	ssyncset.done $0x0  }
0xd9: {  	s1 =	rddreg [dreg:$0xb];
	[sflag:s8] =	ssyncadd.s32 $0xFFFFE000  }
0xda: {  	[hbm4b:s1+s2] =	stream.linear.scatter [tilespmem:s6], [sflag:$0x2], $0x8000, $0x38;
	[tilespmem:$0x8200] =	vst v63  }
0xdb: {  	_ =	swait.ge [sflag:s4], $0x8000  }
0xdc: {  	[sflag:s4] =	ssyncset.done $0x0  }
0xdd: {  	[sflag:s4] =	ssyncadd.s32 $0xFFFF8000  }
0xde: {  	[tilespmem:s2], [sflag:$0x2] =	stream.linear.gather [hbm4b:s31+s2], $0x80, $0x38;
	[tilespmem:$0x8200] =	vst v63  }
0xdf: {  	_ =	swait.ge [sflag:s4], $0x80  }
0xe0: {  	[sflag:s4] =	ssyncset.done $0x0  }
0xe1: {  	[sflag:s4] =	ssyncadd.s32 $0xFFFFFF80  }
0xe2: {  	[tilespmem:s9], [sflag:$0x2] =	stream.linear.gather [hbm4b:s30+s2], $0x80, $0x38;
	[tilespmem:$0x8200] =	vst v63  }
0xe3: {  	_ =	swait.ge [sflag:s4], $0x80  }
0xe4: {  	[sflag:s4] =	ssyncset.done $0x0  }
0xe5: {  	[sflag:s4] =	ssyncadd.s32 $0xFFFFFF80  }
0xe6: {  	[tilespmem:s10], [sflag:$0x2] =	stream.linear.gather [hbm4b:s29+s2], $0x80, $0x38;
	[tilespmem:$0x8200] =	vst v63  }
0xe7: {  	_ =	swait.ge [sflag:s4], $0x80  }
0xe8: {  	[sflag:s4] =	ssyncset.done $0x0  }
0xe9: {  	[sflag:s4] =	ssyncadd.s32 $0xFFFFFF80  }
0xea: {  	[tilespmem:s12], [sflag:$0x2] =	stream.linear.gather [hbm4b:s28+s2], $0x80, $0x38;
	[tilespmem:$0x8200] =	vst v63  }
0xeb: {  	_ =	swait.ge [sflag:s4], $0x80  }
0xec: {  	[sflag:s4] =	ssyncset.done $0x0  }
0xed: {  	[sflag:s4] =	ssyncadd.s32 $0xFFFFFF80  }
0xee: {  	[tilespmem:s6], [sflag:$0x1] =	stream.indirect.gather [hbm4b:s20+s9], $0x40, s2, s9, $0xb8;
	[tilespmem:$0x8200] =	vst v63  }
0xef: {  	_ = 	snop  }
0xf0: {  	[tilespmem:s15], [sflag:$0x1] =	stream.indirect.gather [hbm4b:s20+s9], $0x40, s9, s9, $0xb8;
	[tilespmem:$0x8200] =	vst v63  }
0xf1: {  	_ = 	snop  }
0xf2: {  	[tilespmem:s16], [sflag:$0x1] =	stream.indirect.gather [hbm4b:s20+s9], $0x40, s10, s9, $0xb8;
	[tilespmem:$0x8200] =	vst v63  }
0xf3: {  	_ = 	snop  }
0xf4: {  	[tilespmem:s17], [sflag:$0x1] =	stream.indirect.gather [hbm4b:s20+s9], $0x40, s12, s9, $0xb8;
	[tilespmem:$0x8200] =	vst v63  }
0xf5: {  	_ =	swait.ge [sflag:s8], $0x2000  }
0xf6: {  	[sflag:s8] =	ssyncset.done $0x0  }
0xf7: {  	[sflag:s8] =	ssyncadd.s32 $0xFFFFE000  }
0xf8: {  	_ =	swait.ge [sflag:s8], $0x2000  }
0xf9: {  	[sflag:s8] =	ssyncset.done $0x0  }
0xfa: {  	[sflag:s8] =	ssyncadd.s32 $0xFFFFE000  }
0xfb: {  	_ =	swait.ge [sflag:s8], $0x2000  }
0xfc: {  	[sflag:s8] =	ssyncset.done $0x0  }
0xfd: {  	[sflag:s8] =	ssyncadd.s32 $0xFFFFE000  }
0xfe: {  	_ =	swait.ge [sflag:s8], $0x2000  }
0xff: {  	[sflag:s8] =	ssyncset.done $0x0  }
0x100: {  	[sflag:s8] =	ssyncadd.s32 $0xFFFFE000  }
0x101: {  	[hbm4b:s25+s2] =	stream.linear.scatter [tilespmem:s6], [sflag:$0x2], $0x8000, $0x38;
	[tilespmem:$0x8200] =	vst v63  }
0x102: {  	_ =	swait.ge [sflag:s4], $0x8000  }
0x103: {  	[sflag:s4] =	ssyncset.done $0x0  }
0x104: {  	[sflag:s4] =	ssyncadd.s32 $0xFFFF8000  }
0x105: {  	[tilespmem:s2], [sflag:$0x2] =	stream.linear.gather [hbm4b:s24+s2], $0x80, $0x38;
	[tilespmem:$0x8200] =	vst v63  }
0x106: {  	_ =	swait.ge [sflag:s4], $0x80  }
0x107: {  	[sflag:s4] =	ssyncset.done $0x0  }
0x108: {  	[sflag:s4] =	ssyncadd.s32 $0xFFFFFF80  }
0x109: {  	[tilespmem:s9], [sflag:$0x2] =	stream.linear.gather [hbm4b:s23+s2], $0x80, $0x38;
	[tilespmem:$0x8200] =	vst v63  }
0x10a: {  	_ =	swait.ge [sflag:s4], $0x80  }
0x10b: {  	[sflag:s4] =	ssyncset.done $0x0  }
0x10c: {  	[sflag:s4] =	ssyncadd.s32 $0xFFFFFF80  }
0x10d: {  	[tilespmem:s10], [sflag:$0x2] =	stream.linear.gather [hbm4b:s22+s2], $0x80, $0x38;
	[tilespmem:$0x8200] =	vst v63  }
0x10e: {  	_ =	swait.ge [sflag:s4], $0x80  }
0x10f: {  	[sflag:s4] =	ssyncset.done $0x0  }
0x110: {  	[sflag:s4] =	ssyncadd.s32 $0xFFFFFF80  }
0x111: {  	[tilespmem:s12], [sflag:$0x2] =	stream.linear.gather [hbm4b:s21+s2], $0x80, $0x38;
	[tilespmem:$0x8200] =	vst v63  }
0x112: {  	_ =	swait.ge [sflag:s4], $0x80  }
0x113: {  	[sflag:s4] =	ssyncset.done $0x0  }
0x114: {  	[sflag:s4] =	ssyncadd.s32 $0xFFFFFF80  }
0x115: {  	[tilespmem:s6], [sflag:$0x1] =	stream.indirect.gather [hbm4b:s7+s9], $0x40, s2, s9, $0xb8;
	[tilespmem:$0x8200] =	vst v63  }
0x116: {  	_ = 	snop  }
0x117: {  	[tilespmem:s15], [sflag:$0x1] =	stream.indirect.gather [hbm4b:s7+s9], $0x40, s9, s9, $0xb8;
	[tilespmem:$0x8200] =	vst v63  }
0x118: {  	_ = 	snop  }
0x119: {  	[tilespmem:s16], [sflag:$0x1] =	stream.indirect.gather [hbm4b:s7+s9], $0x40, s10, s9, $0xb8;
	[tilespmem:$0x8200] =	vst v63  }
0x11a: {  	_ = 	snop  }
0x11b: {  	[tilespmem:s17], [sflag:$0x1] =	stream.indirect.gather [hbm4b:s7+s9], $0x40, s12, s9, $0xb8;
	[tilespmem:$0x8200] =	vst v63  }
0x11c: {  	_ =	swait.ge [sflag:s8], $0x2000  }
0x11d: {  	[sflag:s8] =	ssyncset.done $0x0  }
0x11e: {  	[sflag:s8] =	ssyncadd.s32 $0xFFFFE000  }
0x11f: {  	_ =	swait.ge [sflag:s8], $0x2000  }
0x120: {  	[sflag:s8] =	ssyncset.done $0x0  }
0x121: {  	[sflag:s8] =	ssyncadd.s32 $0xFFFFE000  }
0x122: {  	_ =	swait.ge [sflag:s8], $0x2000  }
0x123: {  	[sflag:s8] =	ssyncset.done $0x0  }
0x124: {  	[sflag:s8] =	ssyncadd.s32 $0xFFFFE000  }
0x125: {  	_ =	swait.ge [sflag:s8], $0x2000  }
0x126: {  	[sflag:s8] =	ssyncset.done $0x0  }
0x127: {  	[sflag:s8] =	ssyncadd.s32 $0xFFFFE000  }
0x128: {  	[hbm4b:s19+s2] =	stream.linear.scatter [tilespmem:s6], [sflag:$0x2], $0x8000, $0x38;
	[tilespmem:$0x8200] =	vst v63  }
0x129: {  	_ =	swait.ge [sflag:s4], $0x8000  }
0x12a: {  	[sflag:s4] =	ssyncset.done $0x0  }
0x12b: {  	[sflag:s4] =	ssyncadd.s32 $0xFFFF8000  }
0x12c: {  	[tilespmem:s2], [sflag:$0x2] =	stream.linear.gather [hbm4b:s18+s2], $0x80, $0x38;
	[tilespmem:$0x8200] =	vst v63  }
0x12d: {  	_ =	swait.ge [sflag:s4], $0x80  }
0x12e: {  	[sflag:s4] =	ssyncset.done $0x0  }
0x12f: {  	[sflag:s4] =	ssyncadd.s32 $0xFFFFFF80  }
0x130: {  	[tilespmem:s9], [sflag:$0x2] =	stream.linear.gather [hbm4b:s14+s2], $0x80, $0x38;
	[tilespmem:$0x8200] =	vst v63  }
0x131: {  	_ =	swait.ge [sflag:s4], $0x80  }
0x132: {  	[sflag:s4] =	ssyncset.done $0x0  }
0x133: {  	[sflag:s4] =	ssyncadd.s32 $0xFFFFFF80  }
0x134: {  	[tilespmem:s10], [sflag:$0x2] =	stream.linear.gather [hbm4b:s13+s2], $0x80, $0x38;
	[tilespmem:$0x8200] =	vst v63  }
0x135: {  	_ =	swait.ge [sflag:s4], $0x80  }
0x136: {  	[sflag:s4] =	ssyncset.done $0x0  }
0x137: {  	[sflag:s4] =	ssyncadd.s32 $0xFFFFFF80  }
0x138: {  	[tilespmem:s12], [sflag:$0x2] =	stream.linear.gather [hbm4b:s11+s2], $0x80, $0x38;
	[tilespmem:$0x8200] =	vst v63  }
0x139: {  	_ =	swait.ge [sflag:s4], $0x80  }
0x13a: {  	[sflag:s4] =	ssyncset.done $0x0  }
0x13b: {  	[sflag:s4] =	ssyncadd.s32 $0xFFFFFF80  }
0x13c: {  	[tilespmem:s6], [sflag:$0x1] =	stream.indirect.gather [hbm4b:s3+s9], $0x40, s2, s9, $0xb8;
	[tilespmem:$0x8200] =	vst v63  }
0x13d: {  	_ = 	snop  }
0x13e: {  	[tilespmem:s15], [sflag:$0x1] =	stream.indirect.gather [hbm4b:s3+s9], $0x40, s9, s9, $0xb8;
	[tilespmem:$0x8200] =	vst v63  }
0x13f: {  	_ = 	snop  }
0x140: {  	[tilespmem:s16], [sflag:$0x1] =	stream.indirect.gather [hbm4b:s3+s9], $0x40, s10, s9, $0xb8;
	[tilespmem:$0x8200] =	vst v63  }
0x141: {  	_ = 	snop  }
0x142: {  	[tilespmem:s17], [sflag:$0x1] =	stream.indirect.gather [hbm4b:s3+s9], $0x40, s12, s9, $0xb8;
	[tilespmem:$0x8200] =	vst v63  }
0x143: {  	_ =	swait.ge [sflag:s8], $0x2000  }
0x144: {  	[sflag:s8] =	ssyncset.done $0x0  }
0x145: {  	[sflag:s8] =	ssyncadd.s32 $0xFFFFE000  }
0x146: {  	_ =	swait.ge [sflag:s8], $0x2000  }
0x147: {  	[sflag:s8] =	ssyncset.done $0x0  }
0x148: {  	[sflag:s8] =	ssyncadd.s32 $0xFFFFE000  }
0x149: {  	_ =	swait.ge [sflag:s8], $0x2000  }
0x14a: {  	[sflag:s8] =	ssyncset.done $0x0  }
0x14b: {  	[sflag:s8] =	ssyncadd.s32 $0xFFFFE000  }
0x14c: {  	p1 =	sne.s32 s0, $0x1;
	_ =	swait.ge [sflag:s8], $0x2000  }
.Ltmp2:
0x14d: {  	[sflag:s8] =	ssyncset.done $0x0;
	(pc) =	sbr.rel @p1 .LBB2_2-.Ltmp2, $4  }
0x14e: {  	[sflag:s8] =	ssyncadd.s32 $0xFFFFE000  }
0x14f: {  	[hbm4b:s5+s2] =	stream.linear.scatter [tilespmem:s6], [sflag:$0x2], $0x8000, $0x38;
	[tilespmem:$0x8200] =	vst v63  }
0x150: {  	_ =	swait.ge [sflag:s4], $0x8000  }
0x151: {  	s0 =	sadd.s32 $0xFFFFFFFF, s0;
	s1 =	rddreg [dreg:$0x7];
	[sflag:s4] =	ssyncset.done $0x0  }
.LBB2_3:
0x152: {  	[sflag:s4] =	ssyncadd.s32 @p0 $0xFFFF8000  }
0x153: {  	[tilespmem:s2], [sflag:$0x2] =	stream.linear.gather [hbm4b:s1+s2], $0x80, $0x38;
	[tilespmem:$0x8200] =	vst v63  }
0x154: {  	_ =	swait.ge [sflag:s4], $0x80  }
0x155: {  	[sflag:s4] =	ssyncset.done $0x0  }
0x156: {  	s0 =	rddreg [dreg:$0x8];
	[sflag:s4] =	ssyncadd.s32 $0xFFFFFF80  }
0x157: {  	[tilespmem:s9], [sflag:$0x2] =	stream.linear.gather [hbm4b:s0+s2], $0x80, $0x38;
	[tilespmem:$0x8200] =	vst v63  }
0x158: {  	_ =	swait.ge [sflag:s4], $0x80  }
0x159: {  	[sflag:s4] =	ssyncset.done $0x0  }
0x15a: {  	s1 =	rddreg [dreg:$0x9];
	[sflag:s4] =	ssyncadd.s32 $0xFFFFFF80  }
0x15b: {  	[tilespmem:s10], [sflag:$0x2] =	stream.linear.gather [hbm4b:s1+s2], $0x80, $0x38;
	[tilespmem:$0x8200] =	vst v63  }
0x15c: {  	_ =	swait.ge [sflag:s4], $0x80  }
0x15d: {  	[sflag:s4] =	ssyncset.done $0x0  }
0x15e: {  	s1 =	rddreg [dreg:$0xa];
	[sflag:s4] =	ssyncadd.s32 $0xFFFFFF80  }
0x15f: {  	[tilespmem:s12], [sflag:$0x2] =	stream.linear.gather [hbm4b:s1+s2], $0x80, $0x38;
	[tilespmem:$0x8200] =	vst v63  }
0x160: {  	_ =	swait.ge [sflag:s4], $0x80  }
0x161: {  	[sflag:s4] =	ssyncset.done $0x0  }
0x162: {  	[sflag:s4] =	ssyncadd.s32 $0xFFFFFF80  }
0x163: {  	[tilespmem:s6], [sflag:$0x1] =	stream.indirect.gather [hbm4b:s26+s9], $0x40, s2, s9, $0xb8;
	[tilespmem:$0x8200] =	vst v63  }
0x164: {  	_ = 	snop  }
0x165: {  	[tilespmem:s15], [sflag:$0x1] =	stream.indirect.gather [hbm4b:s26+s9], $0x40, s9, s9, $0xb8;
	[tilespmem:$0x8200] =	vst v63  }
0x166: {  	_ = 	snop  }
0x167: {  	[tilespmem:s16], [sflag:$0x1] =	stream.indirect.gather [hbm4b:s26+s9], $0x40, s10, s9, $0xb8;
	[tilespmem:$0x8200] =	vst v63  }
0x168: {  	_ = 	snop  }
0x169: {  	[tilespmem:s17], [sflag:$0x1] =	stream.indirect.gather [hbm4b:s26+s9], $0x40, s12, s9, $0xb8;
	[tilespmem:$0x8200] =	vst v63  }
0x16a: {  	_ =	swait.ge [sflag:s8], $0x2000  }
0x16b: {  	[sflag:s8] =	ssyncset.done $0x0  }
0x16c: {  	[sflag:s8] =	ssyncadd.s32 $0xFFFFE000  }
0x16d: {  	_ =	swait.ge [sflag:s8], $0x2000  }
0x16e: {  	[sflag:s8] =	ssyncset.done $0x0  }
0x16f: {  	[sflag:s8] =	ssyncadd.s32 $0xFFFFE000  }
0x170: {  	_ =	swait.ge [sflag:s8], $0x2000  }
0x171: {  	[sflag:s8] =	ssyncset.done $0x0  }
0x172: {  	[sflag:s8] =	ssyncadd.s32 $0xFFFFE000  }
0x173: {  	_ =	swait.ge [sflag:s8], $0x2000  }
0x174: {  	[sflag:s8] =	ssyncset.done $0x0  }
0x175: {  	s26 =	rddreg [dreg:$0xb];
	[sflag:s8] =	ssyncadd.s32 $0xFFFFE000  }
0x176: {  	[hbm4b:s26+s2] =	stream.linear.scatter [tilespmem:s6], [sflag:$0x2], $0x8000, $0x38;
	[tilespmem:$0x8200] =	vst v63  }
0x177: {  	_ =	swait.ge [sflag:s4], $0x8000  }
0x178: {  	[sflag:s4] =	ssyncset.done $0x0  }
0x179: {  	[sflag:s4] =	ssyncadd.s32 $0xFFFF8000  }
0x17a: {  	[tilespmem:s2], [sflag:$0x2] =	stream.linear.gather [hbm4b:s31+s2], $0x80, $0x38;
	[tilespmem:$0x8200] =	vst v63  }
0x17b: {  	_ =	swait.ge [sflag:s4], $0x80  }
0x17c: {  	[sflag:s4] =	ssyncset.done $0x0  }
0x17d: {  	[sflag:s4] =	ssyncadd.s32 $0xFFFFFF80  }
0x17e: {  	[tilespmem:s9], [sflag:$0x2] =	stream.linear.gather [hbm4b:s30+s2], $0x80, $0x38;
	[tilespmem:$0x8200] =	vst v63  }
0x17f: {  	_ =	swait.ge [sflag:s4], $0x80  }
0x180: {  	[sflag:s4] =	ssyncset.done $0x0  }
0x181: {  	[sflag:s4] =	ssyncadd.s32 $0xFFFFFF80  }
0x182: {  	[tilespmem:s10], [sflag:$0x2] =	stream.linear.gather [hbm4b:s29+s2], $0x80, $0x38;
	[tilespmem:$0x8200] =	vst v63  }
0x183: {  	_ =	swait.ge [sflag:s4], $0x80  }
0x184: {  	[sflag:s4] =	ssyncset.done $0x0  }
0x185: {  	[sflag:s4] =	ssyncadd.s32 $0xFFFFFF80  }
0x186: {  	[tilespmem:s12], [sflag:$0x2] =	stream.linear.gather [hbm4b:s28+s2], $0x80, $0x38;
	[tilespmem:$0x8200] =	vst v63  }
0x187: {  	_ =	swait.ge [sflag:s4], $0x80  }
0x188: {  	[sflag:s4] =	ssyncset.done $0x0  }
0x189: {  	[sflag:s4] =	ssyncadd.s32 $0xFFFFFF80  }
0x18a: {  	[tilespmem:s6], [sflag:$0x1] =	stream.indirect.gather [hbm4b:s20+s9], $0x40, s2, s9, $0xb8;
	[tilespmem:$0x8200] =	vst v63  }
0x18b: {  	_ = 	snop  }
0x18c: {  	[tilespmem:s15], [sflag:$0x1] =	stream.indirect.gather [hbm4b:s20+s9], $0x40, s9, s9, $0xb8;
	[tilespmem:$0x8200] =	vst v63  }
0x18d: {  	_ = 	snop  }
0x18e: {  	[tilespmem:s16], [sflag:$0x1] =	stream.indirect.gather [hbm4b:s20+s9], $0x40, s10, s9, $0xb8;
	[tilespmem:$0x8200] =	vst v63  }
0x18f: {  	_ = 	snop  }
0x190: {  	[tilespmem:s17], [sflag:$0x1] =	stream.indirect.gather [hbm4b:s20+s9], $0x40, s12, s9, $0xb8;
	[tilespmem:$0x8200] =	vst v63  }
0x191: {  	_ =	swait.ge [sflag:s8], $0x2000  }
0x192: {  	[sflag:s8] =	ssyncset.done $0x0  }
0x193: {  	[sflag:s8] =	ssyncadd.s32 $0xFFFFE000  }
0x194: {  	_ =	swait.ge [sflag:s8], $0x2000  }
0x195: {  	[sflag:s8] =	ssyncset.done $0x0  }
0x196: {  	[sflag:s8] =	ssyncadd.s32 $0xFFFFE000  }
0x197: {  	_ =	swait.ge [sflag:s8], $0x2000  }
0x198: {  	[sflag:s8] =	ssyncset.done $0x0  }
0x199: {  	[sflag:s8] =	ssyncadd.s32 $0xFFFFE000  }
0x19a: {  	_ =	swait.ge [sflag:s8], $0x2000  }
0x19b: {  	[sflag:s8] =	ssyncset.done $0x0  }
0x19c: {  	[sflag:s8] =	ssyncadd.s32 $0xFFFFE000  }
0x19d: {  	[hbm4b:s25+s2] =	stream.linear.scatter [tilespmem:s6], [sflag:$0x2], $0x8000, $0x38;
	[tilespmem:$0x8200] =	vst v63  }
0x19e: {  	_ =	swait.ge [sflag:s4], $0x8000  }
0x19f: {  	[sflag:s4] =	ssyncset.done $0x0  }
0x1a0: {  	[sflag:s4] =	ssyncadd.s32 $0xFFFF8000  }
0x1a1: {  	[tilespmem:s2], [sflag:$0x2] =	stream.linear.gather [hbm4b:s24+s2], $0x80, $0x38;
	[tilespmem:$0x8200] =	vst v63  }
0x1a2: {  	_ =	swait.ge [sflag:s4], $0x80  }
0x1a3: {  	[sflag:s4] =	ssyncset.done $0x0  }
0x1a4: {  	[sflag:s4] =	ssyncadd.s32 $0xFFFFFF80  }
0x1a5: {  	[tilespmem:s9], [sflag:$0x2] =	stream.linear.gather [hbm4b:s23+s2], $0x80, $0x38;
	[tilespmem:$0x8200] =	vst v63  }
0x1a6: {  	_ =	swait.ge [sflag:s4], $0x80  }
0x1a7: {  	[sflag:s4] =	ssyncset.done $0x0  }
0x1a8: {  	[sflag:s4] =	ssyncadd.s32 $0xFFFFFF80  }
0x1a9: {  	[tilespmem:s10], [sflag:$0x2] =	stream.linear.gather [hbm4b:s22+s2], $0x80, $0x38;
	[tilespmem:$0x8200] =	vst v63  }
0x1aa: {  	_ =	swait.ge [sflag:s4], $0x80  }
0x1ab: {  	[sflag:s4] =	ssyncset.done $0x0  }
0x1ac: {  	[sflag:s4] =	ssyncadd.s32 $0xFFFFFF80  }
0x1ad: {  	[tilespmem:s12], [sflag:$0x2] =	stream.linear.gather [hbm4b:s21+s2], $0x80, $0x38;
	[tilespmem:$0x8200] =	vst v63  }
0x1ae: {  	_ =	swait.ge [sflag:s4], $0x80  }
0x1af: {  	[sflag:s4] =	ssyncset.done $0x0  }
0x1b0: {  	[sflag:s4] =	ssyncadd.s32 $0xFFFFFF80  }
0x1b1: {  	[tilespmem:s6], [sflag:$0x1] =	stream.indirect.gather [hbm4b:s7+s9], $0x40, s2, s9, $0xb8;
	[tilespmem:$0x8200] =	vst v63  }
0x1b2: {  	_ = 	snop  }
0x1b3: {  	[tilespmem:s15], [sflag:$0x1] =	stream.indirect.gather [hbm4b:s7+s9], $0x40, s9, s9, $0xb8;
	[tilespmem:$0x8200] =	vst v63  }
0x1b4: {  	_ = 	snop  }
0x1b5: {  	[tilespmem:s16], [sflag:$0x1] =	stream.indirect.gather [hbm4b:s7+s9], $0x40, s10, s9, $0xb8;
	[tilespmem:$0x8200] =	vst v63  }
0x1b6: {  	_ = 	snop  }
0x1b7: {  	[tilespmem:s17], [sflag:$0x1] =	stream.indirect.gather [hbm4b:s7+s9], $0x40, s12, s9, $0xb8;
	[tilespmem:$0x8200] =	vst v63  }
0x1b8: {  	_ =	swait.ge [sflag:s8], $0x2000  }
0x1b9: {  	[sflag:s8] =	ssyncset.done $0x0  }
0x1ba: {  	[sflag:s8] =	ssyncadd.s32 $0xFFFFE000  }
0x1bb: {  	_ =	swait.ge [sflag:s8], $0x2000  }
0x1bc: {  	[sflag:s8] =	ssyncset.done $0x0  }
0x1bd: {  	[sflag:s8] =	ssyncadd.s32 $0xFFFFE000  }
0x1be: {  	_ =	swait.ge [sflag:s8], $0x2000  }
0x1bf: {  	[sflag:s8] =	ssyncset.done $0x0  }
0x1c0: {  	[sflag:s8] =	ssyncadd.s32 $0xFFFFE000  }
0x1c1: {  	_ =	swait.ge [sflag:s8], $0x2000  }
0x1c2: {  	[sflag:s8] =	ssyncset.done $0x0  }
0x1c3: {  	[sflag:s8] =	ssyncadd.s32 $0xFFFFE000  }
0x1c4: {  	[hbm4b:s19+s2] =	stream.linear.scatter [tilespmem:s6], [sflag:$0x2], $0x8000, $0x38;
	[tilespmem:$0x8200] =	vst v63  }
0x1c5: {  	_ =	swait.ge [sflag:s4], $0x8000  }
0x1c6: {  	[sflag:s4] =	ssyncset.done $0x0  }
0x1c7: {  	[sflag:s4] =	ssyncadd.s32 $0xFFFF8000  }
0x1c8: {  	[tilespmem:s2], [sflag:$0x2] =	stream.linear.gather [hbm4b:s18+s2], $0x80, $0x38;
	[tilespmem:$0x8200] =	vst v63  }
0x1c9: {  	_ =	swait.ge [sflag:s4], $0x80  }
0x1ca: {  	[sflag:s4] =	ssyncset.done $0x0  }
0x1cb: {  	[sflag:s4] =	ssyncadd.s32 $0xFFFFFF80  }
0x1cc: {  	[tilespmem:s9], [sflag:$0x2] =	stream.linear.gather [hbm4b:s14+s2], $0x80, $0x38;
	[tilespmem:$0x8200] =	vst v63  }
0x1cd: {  	_ =	swait.ge [sflag:s4], $0x80  }
0x1ce: {  	[sflag:s4] =	ssyncset.done $0x0  }
0x1cf: {  	[sflag:s4] =	ssyncadd.s32 $0xFFFFFF80  }
0x1d0: {  	[tilespmem:s10], [sflag:$0x2] =	stream.linear.gather [hbm4b:s13+s2], $0x80, $0x38;
	[tilespmem:$0x8200] =	vst v63  }
0x1d1: {  	_ =	swait.ge [sflag:s4], $0x80  }
0x1d2: {  	[sflag:s4] =	ssyncset.done $0x0  }
0x1d3: {  	[sflag:s4] =	ssyncadd.s32 $0xFFFFFF80  }
0x1d4: {  	[tilespmem:s12], [sflag:$0x2] =	stream.linear.gather [hbm4b:s11+s2], $0x80, $0x38;
	[tilespmem:$0x8200] =	vst v63  }
0x1d5: {  	_ =	swait.ge [sflag:s4], $0x80  }
0x1d6: {  	[sflag:s4] =	ssyncset.done $0x0  }
0x1d7: {  	[sflag:s4] =	ssyncadd.s32 $0xFFFFFF80  }
0x1d8: {  	[tilespmem:s6], [sflag:$0x1] =	stream.indirect.gather [hbm4b:s3+s9], $0x40, s2, s9, $0xb8;
	[tilespmem:$0x8200] =	vst v63  }
0x1d9: {  	_ = 	snop  }
0x1da: {  	[tilespmem:s15], [sflag:$0x1] =	stream.indirect.gather [hbm4b:s3+s9], $0x40, s9, s9, $0xb8;
	[tilespmem:$0x8200] =	vst v63  }
0x1db: {  	_ = 	snop  }
0x1dc: {  	[tilespmem:s16], [sflag:$0x1] =	stream.indirect.gather [hbm4b:s3+s9], $0x40, s10, s9, $0xb8;
	[tilespmem:$0x8200] =	vst v63  }
0x1dd: {  	_ = 	snop  }
0x1de: {  	[tilespmem:s17], [sflag:$0x1] =	stream.indirect.gather [hbm4b:s3+s9], $0x40, s12, s9, $0xb8;
	[tilespmem:$0x8200] =	vst v63  }
0x1df: {  	_ =	swait.ge [sflag:s8], $0x2000  }
0x1e0: {  	[sflag:s8] =	ssyncset.done $0x0  }
0x1e1: {  	[sflag:s8] =	ssyncadd.s32 $0xFFFFE000  }
0x1e2: {  	_ =	swait.ge [sflag:s8], $0x2000  }
0x1e3: {  	[sflag:s8] =	ssyncset.done $0x0  }
0x1e4: {  	[sflag:s8] =	ssyncadd.s32 $0xFFFFE000  }
0x1e5: {  	_ =	swait.ge [sflag:s8], $0x2000  }
0x1e6: {  	[sflag:s8] =	ssyncset.done $0x0  }
0x1e7: {  	[sflag:s8] =	ssyncadd.s32 $0xFFFFE000  }
0x1e8: {  	_ =	swait.ge [sflag:s8], $0x2000  }
0x1e9: {  	[sflag:s8] =	ssyncset.done $0x0  }
0x1ea: {  	[sflag:s8] =	ssyncadd.s32 $0xFFFFE000  }
0x1eb: {  	[hbm4b:s5+s2] =	stream.linear.scatter [tilespmem:s6], [sflag:$0x2], $0x8000, $0x38;
	[tilespmem:$0x8200] =	vst v63  }
0x1ec: {  	_ =	swait.ge [sflag:s4], $0x8000  }
0x1ed: {  	[sflag:s4] =	ssyncset.done $0x0  }
0x1ee: {  	[sflag:s4] =	ssyncadd.s32 $0xFFFF8000  }
0x1ef: {  	_ =	sfence.sel $0x180000  }
0x1f0: {  	[bflag:$0x0] =	sbarrier.arrive $0xFFFF  }
0x1f1: {  	_ =	strace $0x90000047  }
0x1f2: {  	s31 =	stileid.u32;
	[bflag:$0x2] =	sbarrier.arrive $0xFFFF  }
0x1f3: {  	p0 =	sne.s32 s31, $0x0;
	s0 =	rddreg [dreg:$0x6]  }
0x1f4: {  	s0 =	sadd.s32 @!p0 $0x100000, s0  }
0x1f5: {  	[sflag:s0] =	ssyncadd.tile.s32 @!p0 $0x1;
	_ =	shalt  }
.Lfunc_end2:
_tile_overlayer_lowered:
.L_overlay_start_2:
0x1f6: {  	(tag) =	ssettag $0x2  }
0x1f7: {  	s0 =	rddreg [dreg:$0x0];
	s2 =	stileid.u32  }
0x1f8: {  	s1 =	rddreg [dreg:$0x1];
	p0 =	sne.s32 s2, $0x0  }
0x1f9: {  	s3 =	rddreg [dreg:$0x2];
	[bflag:$0x3] =	sbarrier.arrive $0xFFFF;
	s2 =	simm.s32 @!p0 $0x1C02  }
0x1fa: {  	[timem:s3], [sflag:s2] =	dma.local @!p0 [hbm:s0], s1  }
0x1fb: {  	s0 =	simm.s32 @!p0 $0x2  }
0x1fc: {  	_ =	swait.ge @!p0 [sflag:s0], s1  }
0x1fd: {  	s1 =	ssub.s32 @!p0 $0x0, s1;
	[sflag:s0] =	ssyncset.done @!p0 $0x0  }
0x1fe: {  	[sflag:s0] =	ssyncadd.s32 @!p0 s1  }
0x1ff: {  	[bflag:$0x3] =	sbarrier.arrive $0xFFFF  }
0x200: {  	_ =	shalt  }

</sc_bundles>
